<compile_context>
chip_gen: v7x
topology: tpu7x:2x2x1
jax: 0.10.2.dev20260603
libtpu: 0.0.44.dev20260713+nightly
codegen_flags: <defaults>
</compile_context>

<pallas_src>
import jax
import jax.numpy as jnp
from jax import lax
from jax.experimental import pallas as pl
from jax.experimental.pallas import tpu as pltpu
from jax.experimental.pallas import tpu_sc as plsc

N = 10000
D = 128
H = 128
C = 40

NC = 2
NS = 16
NW = NC * NS
BATCH = 128
N_PAD = 10240
DUMP = N
RPT = N_PAD // NS

_HIGH = lax.Precision.HIGHEST


def _proj_body(x_ref, wl_ref, wr_ref, b_ref, p_ref, s_ref):
    xb = x_ref[...]
    p = jnp.dot(xb, wl_ref[...], precision=_HIGH)
    s = jnp.dot(xb, wr_ref[...], precision=_HIGH) + b_ref[...]
    p_ref[0] = p[:, :64]
    p_ref[1] = p[:, 64:]
    s_ref[0] = s[:, :64]
    s_ref[1] = s[:, 64:]


def _mid_body(acc_ref, wl_ref, wr_ref, b_ref, p_ref, s_ref):
    h = jnp.maximum(jnp.concatenate([acc_ref[0], acc_ref[1]], axis=1), 0.0)
    p = jnp.dot(h, wl_ref[...], precision=_HIGH)
    p_ref[0] = p
    p_ref[1] = p
    s_ref[...] = 0.5 * (jnp.dot(h, wr_ref[...], precision=_HIGH) + b_ref[...])


def _final_body(acc_ref, o_ref):
    o_ref[...] = acc_ref[0] + acc_ref[1]


NBUF = 2


def _edge_loop(p_hbm, src_v, dst_v, acc_sh, bufs, gsems, ssems, T):

    def step(i, carry):
        j0 = 2 * i
        j1 = j0 + 1
        d0 = pltpu.async_copy(p_hbm.at[src_v.at[j0]], bufs[0], gsems[0])
        d1 = pltpu.async_copy(p_hbm.at[src_v.at[j1]], bufs[1], gsems[1])
        d0.wait()
        pltpu.sync_copy(bufs[0], acc_sh.at[dst_v.at[j0]], add=True)
        d1.wait()
        pltpu.sync_copy(bufs[1], acc_sh.at[dst_v.at[j1]], add=True)
        return carry

    lax.fori_loop(0, T // 2, step, 0)


def _make_sc_l1(T, extra):
    mesh = plsc.VectorSubcoreMesh(core_axis_name="c", subcore_axis_name="s")

    def body(p_hbm, sh_hbm, src0_hbm, src1_hbm, dst_hbm, out_hbm,
             src_v, dst_v, bufs, acc_sh, gsems, ssems):
        c = lax.axis_index("c")
        s = lax.axis_index("s")
        r0 = s * RPT
        pltpu.sync_copy(sh_hbm.at[c, pl.ds(r0, RPT)], acc_sh.at[pl.ds(r0, RPT)])

        @pl.when(c == 0)
        def _():
            pltpu.sync_copy(src0_hbm.at[pl.ds(s * T, T)], src_v.at[pl.ds(0, T)])

        @pl.when(c == 1)
        def _():
            pltpu.sync_copy(src1_hbm.at[pl.ds(s * T, T)], src_v.at[pl.ds(0, T)])

        pltpu.sync_copy(dst_hbm.at[pl.ds(s * T, T)], dst_v.at[pl.ds(0, T)])

        @pl.when(s < extra)
        def _():
            @pl.when(c == 0)
            def _():
                pltpu.sync_copy(src0_hbm.at[pl.ds(NS * T + s, 1)],
                                src_v.at[pl.ds(T, 1)])

            @pl.when(c == 1)
            def _():
                pltpu.sync_copy(src1_hbm.at[pl.ds(NS * T + s, 1)],
                                src_v.at[pl.ds(T, 1)])

            pltpu.sync_copy(dst_hbm.at[pl.ds(NS * T + s, 1)],
                            dst_v.at[pl.ds(T, 1)])

        plsc.subcore_barrier()
        _edge_loop(p_hbm, src_v, dst_v, acc_sh, bufs, gsems, ssems, T)

        @pl.when(s < extra)
        def _():
            d = pltpu.async_copy(p_hbm.at[src_v.at[T]], bufs[0], gsems[0])
            d.wait()
            pltpu.sync_copy(bufs[0], acc_sh.at[dst_v.at[T]], add=True)

        plsc.subcore_barrier()
        pltpu.sync_copy(acc_sh.at[pl.ds(r0, RPT)], out_hbm.at[c, pl.ds(r0, RPT)])

    return pl.kernel(
        body,
        out_type=jax.ShapeDtypeStruct((NC, N_PAD, 64), jnp.float32),
        mesh=mesh,
        compiler_params=pltpu.CompilerParams(use_tc_tiling_on_sc=False),
        scratch_types=[
            pltpu.VMEM((T + 1, BATCH), jnp.int32),
            pltpu.VMEM((T + 1, BATCH), jnp.int32),
            [pltpu.VMEM((BATCH, 64), jnp.float32) for _ in range(NBUF)],
            pltpu.VMEM_SHARED((N_PAD, 64), jnp.float32),
            [pltpu.SemaphoreType.DMA for _ in range(NBUF)],
            [pltpu.SemaphoreType.DMA for _ in range(NBUF)],
        ],
    )


def _make_sc_l2(T, extra):
    mesh = plsc.VectorSubcoreMesh(core_axis_name="c", subcore_axis_name="s")

    def body(p_hbm, sh_hbm, src0_hbm, src1_hbm, dst_hbm, out_hbm,
             src_v, dst_v, bufs, acc_sh, gsems, ssems):
        c = lax.axis_index("c")
        s = lax.axis_index("s")
        w = c * NS + s
        r0 = s * RPT
        pltpu.sync_copy(sh_hbm.at[pl.ds(r0, RPT)], acc_sh.at[pl.ds(r0, RPT)])

        @pl.when(c == 0)
        def _():
            pltpu.sync_copy(src0_hbm.at[pl.ds(w * T, T)], src_v.at[pl.ds(0, T)])

        @pl.when(c == 1)
        def _():
            pltpu.sync_copy(src1_hbm.at[pl.ds(w * T, T)], src_v.at[pl.ds(0, T)])

        pltpu.sync_copy(dst_hbm.at[pl.ds(w * T, T)], dst_v.at[pl.ds(0, T)])

        @pl.when(w < extra)
        def _():
            @pl.when(c == 0)
            def _():
                pltpu.sync_copy(src0_hbm.at[pl.ds(NW * T + w, 1)],
                                src_v.at[pl.ds(T, 1)])

            @pl.when(c == 1)
            def _():
                pltpu.sync_copy(src1_hbm.at[pl.ds(NW * T + w, 1)],
                                src_v.at[pl.ds(T, 1)])

            pltpu.sync_copy(dst_hbm.at[pl.ds(NW * T + w, 1)],
                            dst_v.at[pl.ds(T, 1)])

        plsc.subcore_barrier()
        _edge_loop(p_hbm, src_v, dst_v, acc_sh, bufs, gsems, ssems, T)

        @pl.when(w < extra)
        def _():
            d = pltpu.async_copy(p_hbm.at[src_v.at[T]], bufs[0], gsems[0])
            d.wait()
            pltpu.sync_copy(bufs[0], acc_sh.at[dst_v.at[T]], add=True)

        plsc.subcore_barrier()
        pltpu.sync_copy(acc_sh.at[pl.ds(r0, RPT)], out_hbm.at[c, pl.ds(r0, RPT)])

    return pl.kernel(
        body,
        out_type=jax.ShapeDtypeStruct((NC, N_PAD, C), jnp.float32),
        mesh=mesh,
        compiler_params=pltpu.CompilerParams(use_tc_tiling_on_sc=False),
        scratch_types=[
            pltpu.VMEM((T + 1, BATCH), jnp.int32),
            pltpu.VMEM((T + 1, BATCH), jnp.int32),
            [pltpu.VMEM((BATCH, C), jnp.float32) for _ in range(NBUF)],
            pltpu.VMEM_SHARED((N_PAD, C), jnp.float32),
            [pltpu.SemaphoreType.DMA for _ in range(NBUF)],
            [pltpu.SemaphoreType.DMA for _ in range(NBUF)],
        ],
    )


def _pad_up(T, m):
    return -(-T // m) * m


def kernel(x, edge_index, W1_l, b1, W1_r, W2_l, b2, W2_r):
    src = edge_index[0]
    dst = edge_index[1]
    E = src.shape[0]

    rows = E // BATCH
    src_r = src.reshape(rows, BATCH)
    srcb_r = src_r + N_PAD
    dst_r = dst.reshape(rows, BATCH)
    T1, X1 = rows // NS, rows % NS
    T2, X2 = rows // NW, rows % NW

    xp = jnp.pad(x, ((0, N_PAD - N), (0, 0)))
    BR = N_PAD // 16

    p1, s1 = pl.pallas_call(
        _proj_body,
        grid=(16,),
        in_specs=[
            pl.BlockSpec((BR, D), lambda i: (i, 0)),
            pl.BlockSpec((D, H), lambda i: (0, 0)),
            pl.BlockSpec((D, H), lambda i: (0, 0)),
            pl.BlockSpec((1, H), lambda i: (0, 0)),
        ],
        out_specs=[pl.BlockSpec((NC, BR, 64), lambda i: (0, i, 0)),
                   pl.BlockSpec((NC, BR, 64), lambda i: (0, i, 0))],
        out_shape=[jax.ShapeDtypeStruct((NC, N_PAD, 64), jnp.float32),
                   jax.ShapeDtypeStruct((NC, N_PAD, 64), jnp.float32)],
    )(xp, W1_l, W1_r, b1.reshape(1, H))

    acc1 = _make_sc_l1(T1, X1)(p1.reshape(NC * N_PAD, 64), s1, src_r, srcb_r, dst_r)

    p2, s2h = pl.pallas_call(
        _mid_body,
        grid=(16,),
        in_specs=[
            pl.BlockSpec((NC, BR, 64), lambda i: (0, i, 0)),
            pl.BlockSpec((H, C), lambda i: (0, 0)),
            pl.BlockSpec((H, C), lambda i: (0, 0)),
            pl.BlockSpec((1, C), lambda i: (0, 0)),
        ],
        out_specs=[pl.BlockSpec((NC, BR, C), lambda i: (0, i, 0)),
                   pl.BlockSpec((BR, C), lambda i: (i, 0))],
        out_shape=[jax.ShapeDtypeStruct((NC, N_PAD, C), jnp.float32),
                   jax.ShapeDtypeStruct((N_PAD, C), jnp.float32)],
    )(acc1, W2_l, W2_r, b2.reshape(1, C))

    acc2 = _make_sc_l2(T2, X2)(p2.reshape(NC * N_PAD, C), s2h, src_r, srcb_r, dst_r)

    out = pl.pallas_call(
        _final_body,
        grid=(25,),
        in_specs=[pl.BlockSpec((NC, 400, C), lambda i: (0, i, 0))],
        out_specs=pl.BlockSpec((400, C), lambda i: (i, 0)),
        out_shape=jax.ShapeDtypeStruct((N, C), jnp.float32),
    )(acc2)
    return out

# --- scband reference (transcript-rebuilt; emitter-appended) ---
"""Pipeline reference for scband-mpnn-79628693668165 (READ-ONLY COPY).

The authoritative reference and input builder live on the scoring server;
editing this copy changes nothing except your own understanding.
"""

import jax, jax.numpy as jnp
import numpy as np

N = 10000
E = 320000
D = 128   # dataset.num_features
H = 128   # hidden_channels
C = 40    # dataset.num_classes


def setup_inputs(seed: int = 0) -> dict:
    key = jax.random.key(seed)
    ks = jax.random.split(key, 9)
    x = jax.random.normal(ks[0], (N, D), dtype=jnp.float32)
    edge_index = jax.random.randint(ks[1], (2, E), 0, N, dtype=jnp.int32)
    # SAGEConv(aggr='sum') params: lin_l (applied to aggregated neighbors, has bias),
    # lin_r (applied to root/self features, no bias) -- PyG convention.
    W1_l = jax.random.normal(ks[2], (D, H), dtype=jnp.float32) * (1.0 / np.sqrt(D))
    b1 = jnp.zeros((H,), dtype=jnp.float32)
    W1_r = jax.random.normal(ks[3], (D, H), dtype=jnp.float32) * (1.0 / np.sqrt(D))
    W2_l = jax.random.normal(ks[4], (H, C), dtype=jnp.float32) * (1.0 / np.sqrt(H))
    b2 = jnp.zeros((C,), dtype=jnp.float32)
    W2_r = jax.random.normal(ks[5], (H, C), dtype=jnp.float32) * (1.0 / np.sqrt(H))
    return {"x": x, "edge_index": edge_index, "W1_l": W1_l, "b1": b1,
            "W1_r": W1_r, "W2_l": W2_l, "b2": b2, "W2_r": W2_r}


def _sage_conv(x, src, dst, W_l, b, W_r, num_nodes):
    # message: x_j = x[src]; aggregate: sum at dst; update: lin_l(agg) + lin_r(x)
    msgs = jnp.take(x, src, axis=0)
    agg = jax.ops.segment_sum(msgs, dst, num_segments=num_nodes)
    return agg @ W_l + b + x @ W_r


def reference(x, edge_index, W1_l, b1, W1_r, W2_l, b2, W2_r):
    src = edge_index[0]
    dst = edge_index[1]
    h = _sage_conv(x, src, dst, W1_l, b1, W1_r, N)
    h = jax.nn.relu(h)
    # F.dropout(p=0.5, training=self.training): identity in eval mode
    out = _sage_conv(h, src, dst, W2_l, b2, W2_r, N)
    return out

if __name__ == "__main__":
    import jax
    _d = setup_inputs()
    print(jax.jit(kernel)(*tuple(_d.values())))

</pallas_src>

<mosaic_0001>
#map = affine_map<(d0, d1) -> (0, 0)>
#map1 = affine_map<(d0, d1) -> (0, 0, 0)>
module attributes {stable_mosaic.version = 14 : i64} {
  func.func @body(%arg0: i32, %arg1: i32, %arg2: memref<20480x64xf32, #tpu.memory_space<hbm>>, %arg3: memref<2x10240x64xf32, #tpu.memory_space<hbm>>, %arg4: memref<2500x128xi32, #tpu.memory_space<hbm>>, %arg5: memref<2500x128xi32, #tpu.memory_space<hbm>>, %arg6: memref<2500x128xi32, #tpu.memory_space<hbm>>, %arg7: memref<2x10240x64xf32, #tpu.memory_space<hbm>>, %arg8: memref<157x128xi32, #tpu.memory_space<vmem>>, %arg9: memref<157x128xi32, #tpu.memory_space<vmem>>, %arg10: memref<128x64xf32, #tpu.memory_space<vmem>>, %arg11: memref<128x64xf32, #tpu.memory_space<vmem>>, %arg12: memref<10240x64xf32, #tpu.memory_space<vmem_shared>>, %arg13: memref<!tpu.dma_semaphore, #tpu.memory_space<semaphore_mem>>, %arg14: memref<!tpu.dma_semaphore, #tpu.memory_space<semaphore_mem>>, %arg15: memref<!tpu.dma_semaphore, #tpu.memory_space<semaphore_mem>>, %arg16: memref<!tpu.dma_semaphore, #tpu.memory_space<semaphore_mem>>) attributes {dimension_semantics = [#tpu.dimension_semantics<core_parallel>, #tpu.dimension_semantics<subcore_parallel>], iteration_bounds = array<i64: 2, 16>, scalar_prefetch = 0 : i64, scratch_operands = 9 : i64, tpu.core_type = #tpu.core_type<sc_vector_subcore>, window_params = [{transform_indices = #map}, {transform_indices = #map1}, {transform_indices = #map}, {transform_indices = #map}, {transform_indices = #map}, {transform_indices = #map1}]} {
    %mul3A = arith.constant 640 : i32
    %mul3A_0 = arith.muli %arg1, %mul3A : i32
    "tpu.region"() ({
      %run_scoped3A = tpu.sem_alloc : memref<!tpu.dma_semaphore, #tpu.memory_space<semaphore_mem>>
      %dma_start3A = arith.constant 0 : i32
      %dma_start3A_25 = tpu.memref_slice %arg12[%mul3A_0, %dma_start3A] : memref<10240x64xf32, #tpu.memory_space<vmem_shared>> -> memref<640x64xf32, #tpu.memory_space<vmem_shared>>
      %dma_start3A_26 = arith.constant 0 : i32
      %dma_start3A_27 = tpu.memref_slice %arg3[%arg0, %mul3A_0, %dma_start3A_26] : memref<2x10240x64xf32, #tpu.memory_space<hbm>> -> memref<1x640x64xf32, #tpu.memory_space<hbm>>
      %dma_start3A_28 = tpu.memref_squeeze %dma_start3A_27 : memref<1x640x64xf32, #tpu.memory_space<hbm>> -> memref<640x64xf32, #tpu.memory_space<hbm>>
      tpu.enqueue_dma source(%dma_start3A_28 : memref<640x64xf32, #tpu.memory_space<hbm>>) target(%dma_start3A_25 : memref<640x64xf32, #tpu.memory_space<vmem_shared>>) target_semaphore(%run_scoped3A : memref<!tpu.dma_semaphore, #tpu.memory_space<semaphore_mem>>)
      %dma_wait3A = arith.constant 0 : i32
      %dma_wait3A_29 = tpu.memref_slice %arg12[%mul3A_0, %dma_wait3A] : memref<10240x64xf32, #tpu.memory_space<vmem_shared>> -> memref<640x64xf32, #tpu.memory_space<vmem_shared>>
      %dma_wait3A_30 = arith.constant 0 : i32
      %dma_wait3A_31 = tpu.memref_slice %arg3[%arg0, %mul3A_0, %dma_wait3A_30] : memref<2x10240x64xf32, #tpu.memory_space<hbm>> -> memref<1x640x64xf32, #tpu.memory_space<hbm>>
      %dma_wait3A_32 = tpu.memref_squeeze %dma_wait3A_31 : memref<1x640x64xf32, #tpu.memory_space<hbm>> -> memref<640x64xf32, #tpu.memory_space<hbm>>
      tpu.wait_dma2 semaphore(%run_scoped3A : memref<!tpu.dma_semaphore, #tpu.memory_space<semaphore_mem>>) src(%dma_wait3A_32 : memref<640x64xf32, #tpu.memory_space<hbm>>) dst(%dma_wait3A_29 : memref<640x64xf32, #tpu.memory_space<vmem_shared>>)
      tpu.yield
    }) : () -> ()
    %eq3A = arith.constant 0 : i32
    %eq3A_1 = arith.cmpi eq, %arg0, %eq3A : i32
    %convert_element_type3A = arith.extui %eq3A_1 : i1 to i32
    %cond3A = arith.constant 0 : i32
    %cond3A_2 = arith.cmpi ne, %convert_element_type3A, %cond3A : i32
    scf.if %cond3A_2 {
      %mul3A_25 = arith.constant 156 : i32
      %mul3A_26 = arith.muli %arg1, %mul3A_25 : i32
      "tpu.region"() ({
        %run_scoped3A = tpu.sem_alloc : memref<!tpu.dma_semaphore, #tpu.memory_space<semaphore_mem>>
        %dma_start3A = arith.constant 0 : i32
        %dma_start3A_27 = arith.constant 0 : i32
        %dma_start3A_28 = tpu.memref_slice %arg8[%dma_start3A, %dma_start3A_27] : memref<157x128xi32, #tpu.memory_space<vmem>> -> memref<156x128xi32, #tpu.memory_space<vmem>>
        %dma_start3A_29 = arith.constant 0 : i32
        %dma_start3A_30 = tpu.memref_slice %arg4[%mul3A_26, %dma_start3A_29] : memref<2500x128xi32, #tpu.memory_space<hbm>> -> memref<156x128xi32, #tpu.memory_space<hbm>>
        %dma_start3A_31 = arith.constant 0 : i32
        %dma_start3A_32 = arith.constant 0 : i32
        %dma_start3A_33 = tpu.memref_slice %arg8[%dma_start3A_31, %dma_start3A_32] : memref<157x128xi32, #tpu.memory_space<vmem>> -> memref<156x128xi32, #tpu.memory_space<vmem>>
        %dma_start3A_34 = arith.constant 0 : i32
        %dma_start3A_35 = tpu.memref_slice %arg4[%mul3A_26, %dma_start3A_34] : memref<2500x128xi32, #tpu.memory_space<hbm>> -> memref<156x128xi32, #tpu.memory_space<hbm>>
        tpu.enqueue_dma source(%dma_start3A_35 : memref<156x128xi32, #tpu.memory_space<hbm>>) target(%dma_start3A_33 : memref<156x128xi32, #tpu.memory_space<vmem>>) target_semaphore(%run_scoped3A : memref<!tpu.dma_semaphore, #tpu.memory_space<semaphore_mem>>)
        %dma_wait3A = arith.constant 0 : i32
        %dma_wait3A_36 = arith.constant 0 : i32
        %dma_wait3A_37 = tpu.memref_slice %arg8[%dma_wait3A, %dma_wait3A_36] : memref<157x128xi32, #tpu.memory_space<vmem>> -> memref<156x128xi32, #tpu.memory_space<vmem>>
        %dma_wait3A_38 = arith.constant 0 : i32
        %dma_wait3A_39 = tpu.memref_slice %arg4[%mul3A_26, %dma_wait3A_38] : memref<2500x128xi32, #tpu.memory_space<hbm>> -> memref<156x128xi32, #tpu.memory_space<hbm>>
        %dma_wait3A_40 = arith.constant 0 : i32
        %dma_wait3A_41 = arith.constant 0 : i32
        %dma_wait3A_42 = tpu.memref_slice %arg8[%dma_wait3A_40, %dma_wait3A_41] : memref<157x128xi32, #tpu.memory_space<vmem>> -> memref<156x128xi32, #tpu.memory_space<vmem>>
        %dma_wait3A_43 = arith.constant 0 : i32
        %dma_wait3A_44 = tpu.memref_slice %arg4[%mul3A_26, %dma_wait3A_43] : memref<2500x128xi32, #tpu.memory_space<hbm>> -> memref<156x128xi32, #tpu.memory_space<hbm>>
        tpu.wait_dma2 semaphore(%run_scoped3A : memref<!tpu.dma_semaphore, #tpu.memory_space<semaphore_mem>>) src(%dma_wait3A_44 : memref<156x128xi32, #tpu.memory_space<hbm>>) dst(%dma_wait3A_42 : memref<156x128xi32, #tpu.memory_space<vmem>>)
        tpu.yield
      }) : () -> ()
    } else {
    }
    %eq3A_3 = arith.constant 1 : i32
    %eq3A_4 = arith.cmpi eq, %arg0, %eq3A_3 : i32
    %convert_element_type3A_5 = arith.extui %eq3A_4 : i1 to i32
    %cond3A_6 = arith.constant 0 : i32
    %cond3A_7 = arith.cmpi ne, %convert_element_type3A_5, %cond3A_6 : i32
    scf.if %cond3A_7 {
      %mul3A_25 = arith.constant 156 : i32
      %mul3A_26 = arith.muli %arg1, %mul3A_25 : i32
      "tpu.region"() ({
        %run_scoped3A = tpu.sem_alloc : memref<!tpu.dma_semaphore, #tpu.memory_space<semaphore_mem>>
        %dma_start3A = arith.constant 0 : i32
        %dma_start3A_27 = arith.constant 0 : i32
        %dma_start3A_28 = tpu.memref_slice %arg8[%dma_start3A, %dma_start3A_27] : memref<157x128xi32, #tpu.memory_space<vmem>> -> memref<156x128xi32, #tpu.memory_space<vmem>>
        %dma_start3A_29 = arith.constant 0 : i32
        %dma_start3A_30 = tpu.memref_slice %arg5[%mul3A_26, %dma_start3A_29] : memref<2500x128xi32, #tpu.memory_space<hbm>> -> memref<156x128xi32, #tpu.memory_space<hbm>>
        %dma_start3A_31 = arith.constant 0 : i32
        %dma_start3A_32 = arith.constant 0 : i32
        %dma_start3A_33 = tpu.memref_slice %arg8[%dma_start3A_31, %dma_start3A_32] : memref<157x128xi32, #tpu.memory_space<vmem>> -> memref<156x128xi32, #tpu.memory_space<vmem>>
        %dma_start3A_34 = arith.constant 0 : i32
        %dma_start3A_35 = tpu.memref_slice %arg5[%mul3A_26, %dma_start3A_34] : memref<2500x128xi32, #tpu.memory_space<hbm>> -> memref<156x128xi32, #tpu.memory_space<hbm>>
        tpu.enqueue_dma source(%dma_start3A_35 : memref<156x128xi32, #tpu.memory_space<hbm>>) target(%dma_start3A_33 : memref<156x128xi32, #tpu.memory_space<vmem>>) target_semaphore(%run_scoped3A : memref<!tpu.dma_semaphore, #tpu.memory_space<semaphore_mem>>)
        %dma_wait3A = arith.constant 0 : i32
        %dma_wait3A_36 = arith.constant 0 : i32
        %dma_wait3A_37 = tpu.memref_slice %arg8[%dma_wait3A, %dma_wait3A_36] : memref<157x128xi32, #tpu.memory_space<vmem>> -> memref<156x128xi32, #tpu.memory_space<vmem>>
        %dma_wait3A_38 = arith.constant 0 : i32
        %dma_wait3A_39 = tpu.memref_slice %arg5[%mul3A_26, %dma_wait3A_38] : memref<2500x128xi32, #tpu.memory_space<hbm>> -> memref<156x128xi32, #tpu.memory_space<hbm>>
        %dma_wait3A_40 = arith.constant 0 : i32
        %dma_wait3A_41 = arith.constant 0 : i32
        %dma_wait3A_42 = tpu.memref_slice %arg8[%dma_wait3A_40, %dma_wait3A_41] : memref<157x128xi32, #tpu.memory_space<vmem>> -> memref<156x128xi32, #tpu.memory_space<vmem>>
        %dma_wait3A_43 = arith.constant 0 : i32
        %dma_wait3A_44 = tpu.memref_slice %arg5[%mul3A_26, %dma_wait3A_43] : memref<2500x128xi32, #tpu.memory_space<hbm>> -> memref<156x128xi32, #tpu.memory_space<hbm>>
        tpu.wait_dma2 semaphore(%run_scoped3A : memref<!tpu.dma_semaphore, #tpu.memory_space<semaphore_mem>>) src(%dma_wait3A_44 : memref<156x128xi32, #tpu.memory_space<hbm>>) dst(%dma_wait3A_42 : memref<156x128xi32, #tpu.memory_space<vmem>>)
        tpu.yield
      }) : () -> ()
    } else {
    }
    %mul3A_8 = arith.constant 156 : i32
    %mul3A_9 = arith.muli %arg1, %mul3A_8 : i32
    "tpu.region"() ({
      %run_scoped3A = tpu.sem_alloc : memref<!tpu.dma_semaphore, #tpu.memory_space<semaphore_mem>>
      %dma_start3A = arith.constant 0 : i32
      %dma_start3A_25 = arith.constant 0 : i32
      %dma_start3A_26 = tpu.memref_slice %arg9[%dma_start3A, %dma_start3A_25] : memref<157x128xi32, #tpu.memory_space<vmem>> -> memref<156x128xi32, #tpu.memory_space<vmem>>
      %dma_start3A_27 = arith.constant 0 : i32
      %dma_start3A_28 = tpu.memref_slice %arg6[%mul3A_9, %dma_start3A_27] : memref<2500x128xi32, #tpu.memory_space<hbm>> -> memref<156x128xi32, #tpu.memory_space<hbm>>
      %dma_start3A_29 = arith.constant 0 : i32
      %dma_start3A_30 = arith.constant 0 : i32
      %dma_start3A_31 = tpu.memref_slice %arg9[%dma_start3A_29, %dma_start3A_30] : memref<157x128xi32, #tpu.memory_space<vmem>> -> memref<156x128xi32, #tpu.memory_space<vmem>>
      %dma_start3A_32 = arith.constant 0 : i32
      %dma_start3A_33 = tpu.memref_slice %arg6[%mul3A_9, %dma_start3A_32] : memref<2500x128xi32, #tpu.memory_space<hbm>> -> memref<156x128xi32, #tpu.memory_space<hbm>>
      tpu.enqueue_dma source(%dma_start3A_33 : memref<156x128xi32, #tpu.memory_space<hbm>>) target(%dma_start3A_31 : memref<156x128xi32, #tpu.memory_space<vmem>>) target_semaphore(%run_scoped3A : memref<!tpu.dma_semaphore, #tpu.memory_space<semaphore_mem>>)
      %dma_wait3A = arith.constant 0 : i32
      %dma_wait3A_34 = arith.constant 0 : i32
      %dma_wait3A_35 = tpu.memref_slice %arg9[%dma_wait3A, %dma_wait3A_34] : memref<157x128xi32, #tpu.memory_space<vmem>> -> memref<156x128xi32, #tpu.memory_space<vmem>>
      %dma_wait3A_36 = arith.constant 0 : i32
      %dma_wait3A_37 = tpu.memref_slice %arg6[%mul3A_9, %dma_wait3A_36] : memref<2500x128xi32, #tpu.memory_space<hbm>> -> memref<156x128xi32, #tpu.memory_space<hbm>>
      %dma_wait3A_38 = arith.constant 0 : i32
      %dma_wait3A_39 = arith.constant 0 : i32
      %dma_wait3A_40 = tpu.memref_slice %arg9[%dma_wait3A_38, %dma_wait3A_39] : memref<157x128xi32, #tpu.memory_space<vmem>> -> memref<156x128xi32, #tpu.memory_space<vmem>>
      %dma_wait3A_41 = arith.constant 0 : i32
      %dma_wait3A_42 = tpu.memref_slice %arg6[%mul3A_9, %dma_wait3A_41] : memref<2500x128xi32, #tpu.memory_space<hbm>> -> memref<156x128xi32, #tpu.memory_space<hbm>>
      tpu.wait_dma2 semaphore(%run_scoped3A : memref<!tpu.dma_semaphore, #tpu.memory_space<semaphore_mem>>) src(%dma_wait3A_42 : memref<156x128xi32, #tpu.memory_space<hbm>>) dst(%dma_wait3A_40 : memref<156x128xi32, #tpu.memory_space<vmem>>)
      tpu.yield
    }) : () -> ()
    %lt3A = arith.constant 4 : i32
    %lt3A_10 = arith.cmpi slt, %arg1, %lt3A : i32
    %convert_element_type3A_11 = arith.extui %lt3A_10 : i1 to i32
    %cond3A_12 = arith.constant 0 : i32
    %cond3A_13 = arith.cmpi ne, %convert_element_type3A_11, %cond3A_12 : i32
    scf.if %cond3A_13 {
      %eq3A_25 = arith.constant 0 : i32
      %eq3A_26 = arith.cmpi eq, %arg0, %eq3A_25 : i32
      %convert_element_type3A_27 = arith.extui %eq3A_26 : i1 to i32
      %cond3A_28 = arith.constant 0 : i32
      %cond3A_29 = arith.cmpi ne, %convert_element_type3A_27, %cond3A_28 : i32
      scf.if %cond3A_29 {
        %add3A_36 = arith.constant 2496 : i32
        %add3A_37 = arith.addi %add3A_36, %arg1 : i32
        "tpu.region"() ({
          %run_scoped3A = tpu.sem_alloc : memref<!tpu.dma_semaphore, #tpu.memory_space<semaphore_mem>>
          %dma_start3A = arith.constant 156 : i32
          %dma_start3A_38 = arith.constant 0 : i32
          %dma_start3A_39 = tpu.memref_slice %arg8[%dma_start3A, %dma_start3A_38] : memref<157x128xi32, #tpu.memory_space<vmem>> -> memref<1x128xi32, #tpu.memory_space<vmem>>
          %dma_start3A_40 = arith.constant 0 : i32
          %dma_start3A_41 = tpu.memref_slice %arg4[%add3A_37, %dma_start3A_40] : memref<2500x128xi32, #tpu.memory_space<hbm>> -> memref<1x128xi32, #tpu.memory_space<hbm>>
          %dma_start3A_42 = arith.constant 156 : i32
          %dma_start3A_43 = arith.constant 0 : i32
          %dma_start3A_44 = tpu.memref_slice %arg8[%dma_start3A_42, %dma_start3A_43] : memref<157x128xi32, #tpu.memory_space<vmem>> -> memref<1x128xi32, #tpu.memory_space<vmem>>
          %dma_start3A_45 = arith.constant 0 : i32
          %dma_start3A_46 = tpu.memref_slice %arg4[%add3A_37, %dma_start3A_45] : memref<2500x128xi32, #tpu.memory_space<hbm>> -> memref<1x128xi32, #tpu.memory_space<hbm>>
          tpu.enqueue_dma source(%dma_start3A_46 : memref<1x128xi32, #tpu.memory_space<hbm>>) target(%dma_start3A_44 : memref<1x128xi32, #tpu.memory_space<vmem>>) target_semaphore(%run_scoped3A : memref<!tpu.dma_semaphore, #tpu.memory_space<semaphore_mem>>)
          %dma_wait3A = arith.constant 156 : i32
          %dma_wait3A_47 = arith.constant 0 : i32
          %dma_wait3A_48 = tpu.memref_slice %arg8[%dma_wait3A, %dma_wait3A_47] : memref<157x128xi32, #tpu.memory_space<vmem>> -> memref<1x128xi32, #tpu.memory_space<vmem>>
          %dma_wait3A_49 = arith.constant 0 : i32
          %dma_wait3A_50 = tpu.memref_slice %arg4[%add3A_37, %dma_wait3A_49] : memref<2500x128xi32, #tpu.memory_space<hbm>> -> memref<1x128xi32, #tpu.memory_space<hbm>>
          %dma_wait3A_51 = arith.constant 156 : i32
          %dma_wait3A_52 = arith.constant 0 : i32
          %dma_wait3A_53 = tpu.memref_slice %arg8[%dma_wait3A_51, %dma_wait3A_52] : memref<157x128xi32, #tpu.memory_space<vmem>> -> memref<1x128xi32, #tpu.memory_space<vmem>>
          %dma_wait3A_54 = arith.constant 0 : i32
          %dma_wait3A_55 = tpu.memref_slice %arg4[%add3A_37, %dma_wait3A_54] : memref<2500x128xi32, #tpu.memory_space<hbm>> -> memref<1x128xi32, #tpu.memory_space<hbm>>
          tpu.wait_dma2 semaphore(%run_scoped3A : memref<!tpu.dma_semaphore, #tpu.memory_space<semaphore_mem>>) src(%dma_wait3A_55 : memref<1x128xi32, #tpu.memory_space<hbm>>) dst(%dma_wait3A_53 : memref<1x128xi32, #tpu.memory_space<vmem>>)
          tpu.yield
        }) : () -> ()
      } else {
      }
      %eq3A_30 = arith.constant 1 : i32
      %eq3A_31 = arith.cmpi eq, %arg0, %eq3A_30 : i32
      %convert_element_type3A_32 = arith.extui %eq3A_31 : i1 to i32
      %cond3A_33 = arith.constant 0 : i32
      %cond3A_34 = arith.cmpi ne, %convert_element_type3A_32, %cond3A_33 : i32
      scf.if %cond3A_34 {
        %add3A_36 = arith.constant 2496 : i32
        %add3A_37 = arith.addi %add3A_36, %arg1 : i32
        "tpu.region"() ({
          %run_scoped3A = tpu.sem_alloc : memref<!tpu.dma_semaphore, #tpu.memory_space<semaphore_mem>>
          %dma_start3A = arith.constant 156 : i32
          %dma_start3A_38 = arith.constant 0 : i32
          %dma_start3A_39 = tpu.memref_slice %arg8[%dma_start3A, %dma_start3A_38] : memref<157x128xi32, #tpu.memory_space<vmem>> -> memref<1x128xi32, #tpu.memory_space<vmem>>
          %dma_start3A_40 = arith.constant 0 : i32
          %dma_start3A_41 = tpu.memref_slice %arg5[%add3A_37, %dma_start3A_40] : memref<2500x128xi32, #tpu.memory_space<hbm>> -> memref<1x128xi32, #tpu.memory_space<hbm>>
          %dma_start3A_42 = arith.constant 156 : i32
          %dma_start3A_43 = arith.constant 0 : i32
          %dma_start3A_44 = tpu.memref_slice %arg8[%dma_start3A_42, %dma_start3A_43] : memref<157x128xi32, #tpu.memory_space<vmem>> -> memref<1x128xi32, #tpu.memory_space<vmem>>
          %dma_start3A_45 = arith.constant 0 : i32
          %dma_start3A_46 = tpu.memref_slice %arg5[%add3A_37, %dma_start3A_45] : memref<2500x128xi32, #tpu.memory_space<hbm>> -> memref<1x128xi32, #tpu.memory_space<hbm>>
          tpu.enqueue_dma source(%dma_start3A_46 : memref<1x128xi32, #tpu.memory_space<hbm>>) target(%dma_start3A_44 : memref<1x128xi32, #tpu.memory_space<vmem>>) target_semaphore(%run_scoped3A : memref<!tpu.dma_semaphore, #tpu.memory_space<semaphore_mem>>)
          %dma_wait3A = arith.constant 156 : i32
          %dma_wait3A_47 = arith.constant 0 : i32
          %dma_wait3A_48 = tpu.memref_slice %arg8[%dma_wait3A, %dma_wait3A_47] : memref<157x128xi32, #tpu.memory_space<vmem>> -> memref<1x128xi32, #tpu.memory_space<vmem>>
          %dma_wait3A_49 = arith.constant 0 : i32
          %dma_wait3A_50 = tpu.memref_slice %arg5[%add3A_37, %dma_wait3A_49] : memref<2500x128xi32, #tpu.memory_space<hbm>> -> memref<1x128xi32, #tpu.memory_space<hbm>>
          %dma_wait3A_51 = arith.constant 156 : i32
          %dma_wait3A_52 = arith.constant 0 : i32
          %dma_wait3A_53 = tpu.memref_slice %arg8[%dma_wait3A_51, %dma_wait3A_52] : memref<157x128xi32, #tpu.memory_space<vmem>> -> memref<1x128xi32, #tpu.memory_space<vmem>>
          %dma_wait3A_54 = arith.constant 0 : i32
          %dma_wait3A_55 = tpu.memref_slice %arg5[%add3A_37, %dma_wait3A_54] : memref<2500x128xi32, #tpu.memory_space<hbm>> -> memref<1x128xi32, #tpu.memory_space<hbm>>
          tpu.wait_dma2 semaphore(%run_scoped3A : memref<!tpu.dma_semaphore, #tpu.memory_space<semaphore_mem>>) src(%dma_wait3A_55 : memref<1x128xi32, #tpu.memory_space<hbm>>) dst(%dma_wait3A_53 : memref<1x128xi32, #tpu.memory_space<vmem>>)
          tpu.yield
        }) : () -> ()
      } else {
      }
      %add3A = arith.constant 2496 : i32
      %add3A_35 = arith.addi %add3A, %arg1 : i32
      "tpu.region"() ({
        %run_scoped3A = tpu.sem_alloc : memref<!tpu.dma_semaphore, #tpu.memory_space<semaphore_mem>>
        %dma_start3A = arith.constant 156 : i32
        %dma_start3A_36 = arith.constant 0 : i32
        %dma_start3A_37 = tpu.memref_slice %arg9[%dma_start3A, %dma_start3A_36] : memref<157x128xi32, #tpu.memory_space<vmem>> -> memref<1x128xi32, #tpu.memory_space<vmem>>
        %dma_start3A_38 = arith.constant 0 : i32
        %dma_start3A_39 = tpu.memref_slice %arg6[%add3A_35, %dma_start3A_38] : memref<2500x128xi32, #tpu.memory_space<hbm>> -> memref<1x128xi32, #tpu.memory_space<hbm>>
        %dma_start3A_40 = arith.constant 156 : i32
        %dma_start3A_41 = arith.constant 0 : i32
        %dma_start3A_42 = tpu.memref_slice %arg9[%dma_start3A_40, %dma_start3A_41] : memref<157x128xi32, #tpu.memory_space<vmem>> -> memref<1x128xi32, #tpu.memory_space<vmem>>
        %dma_start3A_43 = arith.constant 0 : i32
        %dma_start3A_44 = tpu.memref_slice %arg6[%add3A_35, %dma_start3A_43] : memref<2500x128xi32, #tpu.memory_space<hbm>> -> memref<1x128xi32, #tpu.memory_space<hbm>>
        tpu.enqueue_dma source(%dma_start3A_44 : memref<1x128xi32, #tpu.memory_space<hbm>>) target(%dma_start3A_42 : memref<1x128xi32, #tpu.memory_space<vmem>>) target_semaphore(%run_scoped3A : memref<!tpu.dma_semaphore, #tpu.memory_space<semaphore_mem>>)
        %dma_wait3A = arith.constant 156 : i32
        %dma_wait3A_45 = arith.constant 0 : i32
        %dma_wait3A_46 = tpu.memref_slice %arg9[%dma_wait3A, %dma_wait3A_45] : memref<157x128xi32, #tpu.memory_space<vmem>> -> memref<1x128xi32, #tpu.memory_space<vmem>>
        %dma_wait3A_47 = arith.constant 0 : i32
        %dma_wait3A_48 = tpu.memref_slice %arg6[%add3A_35, %dma_wait3A_47] : memref<2500x128xi32, #tpu.memory_space<hbm>> -> memref<1x128xi32, #tpu.memory_space<hbm>>
        %dma_wait3A_49 = arith.constant 156 : i32
        %dma_wait3A_50 = arith.constant 0 : i32
        %dma_wait3A_51 = tpu.memref_slice %arg9[%dma_wait3A_49, %dma_wait3A_50] : memref<157x128xi32, #tpu.memory_space<vmem>> -> memref<1x128xi32, #tpu.memory_space<vmem>>
        %dma_wait3A_52 = arith.constant 0 : i32
        %dma_wait3A_53 = tpu.memref_slice %arg6[%add3A_35, %dma_wait3A_52] : memref<2500x128xi32, #tpu.memory_space<hbm>> -> memref<1x128xi32, #tpu.memory_space<hbm>>
        tpu.wait_dma2 semaphore(%run_scoped3A : memref<!tpu.dma_semaphore, #tpu.memory_space<semaphore_mem>>) src(%dma_wait3A_53 : memref<1x128xi32, #tpu.memory_space<hbm>>) dst(%dma_wait3A_51 : memref<1x128xi32, #tpu.memory_space<vmem>>)
        tpu.yield
      }) : () -> ()
    } else {
    }
    %barrier3A = arith.constant 0 : index
    tpu.barrier barrier_id(%barrier3A)
    %scan3A = arith.constant 0 : i32
    %scan3A_14 = arith.constant 0 : i32
    %scan3A_15 = arith.constant 78 : i32
    %scan3A_16 = arith.addi %scan3A_14, %scan3A_15 : i32
    %scan3A_17 = arith.constant 1 : i32
    scf.for %scan3A_25 = %scan3A_14 to %scan3A_16 step %scan3A_17  : i32 {
      %mul3A_26 = arith.constant 2 : i32
      %mul3A_27 = arith.muli %mul3A_26, %scan3A_25 : i32
      %add3A = arith.constant 1 : i32
      %add3A_28 = arith.addi %mul3A_27, %add3A : i32
      %dma_start3A = arith.constant 0 : i32
      %dma_start3A_29 = tpu.memref_slice %arg8[%mul3A_27, %dma_start3A] : memref<157x128xi32, #tpu.memory_space<vmem>> -> memref<1x128xi32, #tpu.memory_space<vmem>>
      %dma_start3A_30 = tpu.memref_squeeze %dma_start3A_29 : memref<1x128xi32, #tpu.memory_space<vmem>> -> memref<128xi32, #tpu.memory_space<vmem>>
      %dma_start3A_31 = arith.constant 0 : i32
      %dma_start3A_32 = arith.constant 0 : i32
      %dma_start3A_33 = tpu.memref_slice %arg2[%dma_start3A_31, %dma_start3A_32] : memref<20480x64xf32, #tpu.memory_space<hbm>> -> memref<20480x64xf32, #tpu.memory_space<hbm>>
      tpu.enqueue_indirect_dma source(%dma_start3A_33 : memref<20480x64xf32, #tpu.memory_space<hbm>>) target(%arg10 : memref<128x64xf32, #tpu.memory_space<vmem>>) offsets(%dma_start3A_30 : memref<128xi32, #tpu.memory_space<vmem>>) semaphore(%arg13 : memref<!tpu.dma_semaphore, #tpu.memory_space<semaphore_mem>>)
      %dma_start3A_34 = arith.constant 0 : i32
      %dma_start3A_35 = tpu.memref_slice %arg8[%add3A_28, %dma_start3A_34] : memref<157x128xi32, #tpu.memory_space<vmem>> -> memref<1x128xi32, #tpu.memory_space<vmem>>
      %dma_start3A_36 = tpu.memref_squeeze %dma_start3A_35 : memref<1x128xi32, #tpu.memory_space<vmem>> -> memref<128xi32, #tpu.memory_space<vmem>>
      %dma_start3A_37 = arith.constant 0 : i32
      %dma_start3A_38 = arith.constant 0 : i32
      %dma_start3A_39 = tpu.memref_slice %arg2[%dma_start3A_37, %dma_start3A_38] : memref<20480x64xf32, #tpu.memory_space<hbm>> -> memref<20480x64xf32, #tpu.memory_space<hbm>>
      tpu.enqueue_indirect_dma source(%dma_start3A_39 : memref<20480x64xf32, #tpu.memory_space<hbm>>) target(%arg11 : memref<128x64xf32, #tpu.memory_space<vmem>>) offsets(%dma_start3A_36 : memref<128xi32, #tpu.memory_space<vmem>>) semaphore(%arg14 : memref<!tpu.dma_semaphore, #tpu.memory_space<semaphore_mem>>)
      %dma_wait3A = arith.constant 0 : i32
      %dma_wait3A_40 = tpu.memref_slice %arg8[%mul3A_27, %dma_wait3A] : memref<157x128xi32, #tpu.memory_space<vmem>> -> memref<1x128xi32, #tpu.memory_space<vmem>>
      %dma_wait3A_41 = tpu.memref_squeeze %dma_wait3A_40 : memref<1x128xi32, #tpu.memory_space<vmem>> -> memref<128xi32, #tpu.memory_space<vmem>>
      %dma_wait3A_42 = arith.constant 0 : i32
      %dma_wait3A_43 = arith.constant 0 : i32
      %dma_wait3A_44 = tpu.memref_slice %arg2[%dma_wait3A_42, %dma_wait3A_43] : memref<20480x64xf32, #tpu.memory_space<hbm>> -> memref<20480x64xf32, #tpu.memory_space<hbm>>
      tpu.wait_indirect_dma semaphore(%arg13 : memref<!tpu.dma_semaphore, #tpu.memory_space<semaphore_mem>>) src(%dma_wait3A_44 : memref<20480x64xf32, #tpu.memory_space<hbm>>) dst(%arg10 : memref<128x64xf32, #tpu.memory_space<vmem>>)
      "tpu.region"() ({
        %run_scoped3A = tpu.sem_alloc : memref<!tpu.dma_semaphore, #tpu.memory_space<semaphore_mem>>
        %dma_start3A_51 = arith.constant 0 : i32
        %dma_start3A_52 = tpu.memref_slice %arg9[%mul3A_27, %dma_start3A_51] : memref<157x128xi32, #tpu.memory_space<vmem>> -> memref<1x128xi32, #tpu.memory_space<vmem>>
        %dma_start3A_53 = tpu.memref_squeeze %dma_start3A_52 : memref<1x128xi32, #tpu.memory_space<vmem>> -> memref<128xi32, #tpu.memory_space<vmem>>
        %dma_start3A_54 = arith.constant 0 : i32
        %dma_start3A_55 = arith.constant 0 : i32
        %dma_start3A_56 = tpu.memref_slice %arg12[%dma_start3A_54, %dma_start3A_55] : memref<10240x64xf32, #tpu.memory_space<vmem_shared>> -> memref<10240x64xf32, #tpu.memory_space<vmem_shared>>
        tpu.enqueue_indirect_dma source(%arg10 : memref<128x64xf32, #tpu.memory_space<vmem>>) target(%dma_start3A_56 : memref<10240x64xf32, #tpu.memory_space<vmem_shared>>) offsets(%dma_start3A_53 : memref<128xi32, #tpu.memory_space<vmem>>) semaphore(%run_scoped3A : memref<!tpu.dma_semaphore, #tpu.memory_space<semaphore_mem>>) {add = true}
        %dma_wait3A_57 = arith.constant 0 : i32
        %dma_wait3A_58 = tpu.memref_slice %arg9[%mul3A_27, %dma_wait3A_57] : memref<157x128xi32, #tpu.memory_space<vmem>> -> memref<1x128xi32, #tpu.memory_space<vmem>>
        %dma_wait3A_59 = tpu.memref_squeeze %dma_wait3A_58 : memref<1x128xi32, #tpu.memory_space<vmem>> -> memref<128xi32, #tpu.memory_space<vmem>>
        %dma_wait3A_60 = arith.constant 0 : i32
        %dma_wait3A_61 = arith.constant 0 : i32
        %dma_wait3A_62 = tpu.memref_slice %arg12[%dma_wait3A_60, %dma_wait3A_61] : memref<10240x64xf32, #tpu.memory_space<vmem_shared>> -> memref<10240x64xf32, #tpu.memory_space<vmem_shared>>
        tpu.wait_indirect_dma semaphore(%run_scoped3A : memref<!tpu.dma_semaphore, #tpu.memory_space<semaphore_mem>>) src(%arg10 : memref<128x64xf32, #tpu.memory_space<vmem>>) dst(%dma_wait3A_62 : memref<10240x64xf32, #tpu.memory_space<vmem_shared>>)
        tpu.yield
      }) : () -> ()
      %dma_wait3A_45 = arith.constant 0 : i32
      %dma_wait3A_46 = tpu.memref_slice %arg8[%add3A_28, %dma_wait3A_45] : memref<157x128xi32, #tpu.memory_space<vmem>> -> memref<1x128xi32, #tpu.memory_space<vmem>>
      %dma_wait3A_47 = tpu.memref_squeeze %dma_wait3A_46 : memref<1x128xi32, #tpu.memory_space<vmem>> -> memref<128xi32, #tpu.memory_space<vmem>>
      %dma_wait3A_48 = arith.constant 0 : i32
      %dma_wait3A_49 = arith.constant 0 : i32
      %dma_wait3A_50 = tpu.memref_slice %arg2[%dma_wait3A_48, %dma_wait3A_49] : memref<20480x64xf32, #tpu.memory_space<hbm>> -> memref<20480x64xf32, #tpu.memory_space<hbm>>
      tpu.wait_indirect_dma semaphore(%arg14 : memref<!tpu.dma_semaphore, #tpu.memory_space<semaphore_mem>>) src(%dma_wait3A_50 : memref<20480x64xf32, #tpu.memory_space<hbm>>) dst(%arg11 : memref<128x64xf32, #tpu.memory_space<vmem>>)
      "tpu.region"() ({
        %run_scoped3A = tpu.sem_alloc : memref<!tpu.dma_semaphore, #tpu.memory_space<semaphore_mem>>
        %dma_start3A_51 = arith.constant 0 : i32
        %dma_start3A_52 = tpu.memref_slice %arg9[%add3A_28, %dma_start3A_51] : memref<157x128xi32, #tpu.memory_space<vmem>> -> memref<1x128xi32, #tpu.memory_space<vmem>>
        %dma_start3A_53 = tpu.memref_squeeze %dma_start3A_52 : memref<1x128xi32, #tpu.memory_space<vmem>> -> memref<128xi32, #tpu.memory_space<vmem>>
        %dma_start3A_54 = arith.constant 0 : i32
        %dma_start3A_55 = arith.constant 0 : i32
        %dma_start3A_56 = tpu.memref_slice %arg12[%dma_start3A_54, %dma_start3A_55] : memref<10240x64xf32, #tpu.memory_space<vmem_shared>> -> memref<10240x64xf32, #tpu.memory_space<vmem_shared>>
        tpu.enqueue_indirect_dma source(%arg11 : memref<128x64xf32, #tpu.memory_space<vmem>>) target(%dma_start3A_56 : memref<10240x64xf32, #tpu.memory_space<vmem_shared>>) offsets(%dma_start3A_53 : memref<128xi32, #tpu.memory_space<vmem>>) semaphore(%run_scoped3A : memref<!tpu.dma_semaphore, #tpu.memory_space<semaphore_mem>>) {add = true}
        %dma_wait3A_57 = arith.constant 0 : i32
        %dma_wait3A_58 = tpu.memref_slice %arg9[%add3A_28, %dma_wait3A_57] : memref<157x128xi32, #tpu.memory_space<vmem>> -> memref<1x128xi32, #tpu.memory_space<vmem>>
        %dma_wait3A_59 = tpu.memref_squeeze %dma_wait3A_58 : memref<1x128xi32, #tpu.memory_space<vmem>> -> memref<128xi32, #tpu.memory_space<vmem>>
        %dma_wait3A_60 = arith.constant 0 : i32
        %dma_wait3A_61 = arith.constant 0 : i32
        %dma_wait3A_62 = tpu.memref_slice %arg12[%dma_wait3A_60, %dma_wait3A_61] : memref<10240x64xf32, #tpu.memory_space<vmem_shared>> -> memref<10240x64xf32, #tpu.memory_space<vmem_shared>>
        tpu.wait_indirect_dma semaphore(%run_scoped3A : memref<!tpu.dma_semaphore, #tpu.memory_space<semaphore_mem>>) src(%arg11 : memref<128x64xf32, #tpu.memory_space<vmem>>) dst(%dma_wait3A_62 : memref<10240x64xf32, #tpu.memory_space<vmem_shared>>)
        tpu.yield
      }) : () -> ()
    }
    %scan3A_18 = arith.constant 78 : i32
    %lt3A_19 = arith.constant 4 : i32
    %lt3A_20 = arith.cmpi slt, %arg1, %lt3A_19 : i32
    %convert_element_type3A_21 = arith.extui %lt3A_20 : i1 to i32
    %cond3A_22 = arith.constant 0 : i32
    %cond3A_23 = arith.cmpi ne, %convert_element_type3A_21, %cond3A_22 : i32
    scf.if %cond3A_23 {
      %dma_start3A = arith.constant 156 : i32
      %dma_start3A_25 = arith.constant 0 : i32
      %dma_start3A_26 = tpu.memref_slice %arg8[%dma_start3A, %dma_start3A_25] : memref<157x128xi32, #tpu.memory_space<vmem>> -> memref<1x128xi32, #tpu.memory_space<vmem>>
      %dma_start3A_27 = tpu.memref_squeeze %dma_start3A_26 : memref<1x128xi32, #tpu.memory_space<vmem>> -> memref<128xi32, #tpu.memory_space<vmem>>
      %dma_start3A_28 = arith.constant 0 : i32
      %dma_start3A_29 = arith.constant 0 : i32
      %dma_start3A_30 = tpu.memref_slice %arg2[%dma_start3A_28, %dma_start3A_29] : memref<20480x64xf32, #tpu.memory_space<hbm>> -> memref<20480x64xf32, #tpu.memory_space<hbm>>
      tpu.enqueue_indirect_dma source(%dma_start3A_30 : memref<20480x64xf32, #tpu.memory_space<hbm>>) target(%arg10 : memref<128x64xf32, #tpu.memory_space<vmem>>) offsets(%dma_start3A_27 : memref<128xi32, #tpu.memory_space<vmem>>) semaphore(%arg13 : memref<!tpu.dma_semaphore, #tpu.memory_space<semaphore_mem>>)
      %dma_wait3A = arith.constant 156 : i32
      %dma_wait3A_31 = arith.constant 0 : i32
      %dma_wait3A_32 = tpu.memref_slice %arg8[%dma_wait3A, %dma_wait3A_31] : memref<157x128xi32, #tpu.memory_space<vmem>> -> memref<1x128xi32, #tpu.memory_space<vmem>>
      %dma_wait3A_33 = tpu.memref_squeeze %dma_wait3A_32 : memref<1x128xi32, #tpu.memory_space<vmem>> -> memref<128xi32, #tpu.memory_space<vmem>>
      %dma_wait3A_34 = arith.constant 0 : i32
      %dma_wait3A_35 = arith.constant 0 : i32
      %dma_wait3A_36 = tpu.memref_slice %arg2[%dma_wait3A_34, %dma_wait3A_35] : memref<20480x64xf32, #tpu.memory_space<hbm>> -> memref<20480x64xf32, #tpu.memory_space<hbm>>
      tpu.wait_indirect_dma semaphore(%arg13 : memref<!tpu.dma_semaphore, #tpu.memory_space<semaphore_mem>>) src(%dma_wait3A_36 : memref<20480x64xf32, #tpu.memory_space<hbm>>) dst(%arg10 : memref<128x64xf32, #tpu.memory_space<vmem>>)
      %run_scoped3A = arith.constant 156 : i32
      "tpu.region"() ({
        %run_scoped3A_37 = tpu.sem_alloc : memref<!tpu.dma_semaphore, #tpu.memory_space<semaphore_mem>>
        %dma_start3A_38 = arith.constant 0 : i32
        %dma_start3A_39 = tpu.memref_slice %arg9[%run_scoped3A, %dma_start3A_38] : memref<157x128xi32, #tpu.memory_space<vmem>> -> memref<1x128xi32, #tpu.memory_space<vmem>>
        %dma_start3A_40 = tpu.memref_squeeze %dma_start3A_39 : memref<1x128xi32, #tpu.memory_space<vmem>> -> memref<128xi32, #tpu.memory_space<vmem>>
        %dma_start3A_41 = arith.constant 0 : i32
        %dma_start3A_42 = arith.constant 0 : i32
        %dma_start3A_43 = tpu.memref_slice %arg12[%dma_start3A_41, %dma_start3A_42] : memref<10240x64xf32, #tpu.memory_space<vmem_shared>> -> memref<10240x64xf32, #tpu.memory_space<vmem_shared>>
        tpu.enqueue_indirect_dma source(%arg10 : memref<128x64xf32, #tpu.memory_space<vmem>>) target(%dma_start3A_43 : memref<10240x64xf32, #tpu.memory_space<vmem_shared>>) offsets(%dma_start3A_40 : memref<128xi32, #tpu.memory_space<vmem>>) semaphore(%run_scoped3A_37 : memref<!tpu.dma_semaphore, #tpu.memory_space<semaphore_mem>>) {add = true}
        %dma_wait3A_44 = arith.constant 0 : i32
        %dma_wait3A_45 = tpu.memref_slice %arg9[%run_scoped3A, %dma_wait3A_44] : memref<157x128xi32, #tpu.memory_space<vmem>> -> memref<1x128xi32, #tpu.memory_space<vmem>>
        %dma_wait3A_46 = tpu.memref_squeeze %dma_wait3A_45 : memref<1x128xi32, #tpu.memory_space<vmem>> -> memref<128xi32, #tpu.memory_space<vmem>>
        %dma_wait3A_47 = arith.constant 0 : i32
        %dma_wait3A_48 = arith.constant 0 : i32
        %dma_wait3A_49 = tpu.memref_slice %arg12[%dma_wait3A_47, %dma_wait3A_48] : memref<10240x64xf32, #tpu.memory_space<vmem_shared>> -> memref<10240x64xf32, #tpu.memory_space<vmem_shared>>
        tpu.wait_indirect_dma semaphore(%run_scoped3A_37 : memref<!tpu.dma_semaphore, #tpu.memory_space<semaphore_mem>>) src(%arg10 : memref<128x64xf32, #tpu.memory_space<vmem>>) dst(%dma_wait3A_49 : memref<10240x64xf32, #tpu.memory_space<vmem_shared>>)
        tpu.yield
      }) : () -> ()
    } else {
    }
    %barrier3A_24 = arith.constant 0 : index
    tpu.barrier barrier_id(%barrier3A_24)
    "tpu.region"() ({
      %run_scoped3A = tpu.sem_alloc : memref<!tpu.dma_semaphore, #tpu.memory_space<semaphore_mem>>
      %dma_start3A = arith.constant 0 : i32
      %dma_start3A_25 = tpu.memref_slice %arg7[%arg0, %mul3A_0, %dma_start3A] : memref<2x10240x64xf32, #tpu.memory_space<hbm>> -> memref<1x640x64xf32, #tpu.memory_space<hbm>>
      %dma_start3A_26 = tpu.memref_squeeze %dma_start3A_25 : memref<1x640x64xf32, #tpu.memory_space<hbm>> -> memref<640x64xf32, #tpu.memory_space<hbm>>
      %dma_start3A_27 = arith.constant 0 : i32
      %dma_start3A_28 = tpu.memref_slice %arg12[%mul3A_0, %dma_start3A_27] : memref<10240x64xf32, #tpu.memory_space<vmem_shared>> -> memref<640x64xf32, #tpu.memory_space<vmem_shared>>
      tpu.enqueue_dma source(%dma_start3A_28 : memref<640x64xf32, #tpu.memory_space<vmem_shared>>) target(%dma_start3A_26 : memref<640x64xf32, #tpu.memory_space<hbm>>) target_semaphore(%run_scoped3A : memref<!tpu.dma_semaphore, #tpu.memory_space<semaphore_mem>>)
      %dma_wait3A = arith.constant 0 : i32
      %dma_wait3A_29 = tpu.memref_slice %arg7[%arg0, %mul3A_0, %dma_wait3A] : memref<2x10240x64xf32, #tpu.memory_space<hbm>> -> memref<1x640x64xf32, #tpu.memory_space<hbm>>
      %dma_wait3A_30 = tpu.memref_squeeze %dma_wait3A_29 : memref<1x640x64xf32, #tpu.memory_space<hbm>> -> memref<640x64xf32, #tpu.memory_space<hbm>>
      %dma_wait3A_31 = arith.constant 0 : i32
      %dma_wait3A_32 = tpu.memref_slice %arg12[%mul3A_0, %dma_wait3A_31] : memref<10240x64xf32, #tpu.memory_space<vmem_shared>> -> memref<640x64xf32, #tpu.memory_space<vmem_shared>>
      tpu.wait_dma2 semaphore(%run_scoped3A : memref<!tpu.dma_semaphore, #tpu.memory_space<semaphore_mem>>) src(%dma_wait3A_32 : memref<640x64xf32, #tpu.memory_space<vmem_shared>>) dst(%dma_wait3A_30 : memref<640x64xf32, #tpu.memory_space<hbm>>)
      tpu.yield
    }) : () -> ()
    return
  }
}

#map = affine_map<(d0, d1) -> (0, 0)>
#map1 = affine_map<(d0, d1) -> (0, 0, 0)>
module attributes {stable_mosaic.version = 14 : i64} {
  func.func @body(%arg0: i32, %arg1: i32, %arg2: memref<20480x40xf32, #tpu.memory_space<hbm>>, %arg3: memref<10240x40xf32, #tpu.memory_space<hbm>>, %arg4: memref<2500x128xi32, #tpu.memory_space<hbm>>, %arg5: memref<2500x128xi32, #tpu.memory_space<hbm>>, %arg6: memref<2500x128xi32, #tpu.memory_space<hbm>>, %arg7: memref<2x10240x40xf32, #tpu.memory_space<hbm>>, %arg8: memref<79x128xi32, #tpu.memory_space<vmem>>, %arg9: memref<79x128xi32, #tpu.memory_space<vmem>>, %arg10: memref<128x40xf32, #tpu.memory_space<vmem>>, %arg11: memref<128x40xf32, #tpu.memory_space<vmem>>, %arg12: memref<10240x40xf32, #tpu.memory_space<vmem_shared>>, %arg13: memref<!tpu.dma_semaphore, #tpu.memory_space<semaphore_mem>>, %arg14: memref<!tpu.dma_semaphore, #tpu.memory_space<semaphore_mem>>, %arg15: memref<!tpu.dma_semaphore, #tpu.memory_space<semaphore_mem>>, %arg16: memref<!tpu.dma_semaphore, #tpu.memory_space<semaphore_mem>>) attributes {dimension_semantics = [#tpu.dimension_semantics<core_parallel>, #tpu.dimension_semantics<subcore_parallel>], iteration_bounds = array<i64: 2, 16>, scalar_prefetch = 0 : i64, scratch_operands = 9 : i64, tpu.core_type = #tpu.core_type<sc_vector_subcore>, window_params = [{transform_indices = #map}, {transform_indices = #map}, {transform_indices = #map}, {transform_indices = #map}, {transform_indices = #map}, {transform_indices = #map1}]} {
    %mul3A = arith.constant 16 : i32
    %mul3A_0 = arith.muli %arg0, %mul3A : i32
    %add3A = arith.addi %mul3A_0, %arg1 : i32
    %mul3A_1 = arith.constant 640 : i32
    %mul3A_2 = arith.muli %arg1, %mul3A_1 : i32
    "tpu.region"() ({
      %run_scoped3A = tpu.sem_alloc : memref<!tpu.dma_semaphore, #tpu.memory_space<semaphore_mem>>
      %dma_start3A = arith.constant 0 : i32
      %dma_start3A_27 = tpu.memref_slice %arg12[%mul3A_2, %dma_start3A] : memref<10240x40xf32, #tpu.memory_space<vmem_shared>> -> memref<640x40xf32, #tpu.memory_space<vmem_shared>>
      %dma_start3A_28 = arith.constant 0 : i32
      %dma_start3A_29 = tpu.memref_slice %arg3[%mul3A_2, %dma_start3A_28] : memref<10240x40xf32, #tpu.memory_space<hbm>> -> memref<640x40xf32, #tpu.memory_space<hbm>>
      tpu.enqueue_dma source(%dma_start3A_29 : memref<640x40xf32, #tpu.memory_space<hbm>>) target(%dma_start3A_27 : memref<640x40xf32, #tpu.memory_space<vmem_shared>>) target_semaphore(%run_scoped3A : memref<!tpu.dma_semaphore, #tpu.memory_space<semaphore_mem>>)
      %dma_wait3A = arith.constant 0 : i32
      %dma_wait3A_30 = tpu.memref_slice %arg12[%mul3A_2, %dma_wait3A] : memref<10240x40xf32, #tpu.memory_space<vmem_shared>> -> memref<640x40xf32, #tpu.memory_space<vmem_shared>>
      %dma_wait3A_31 = arith.constant 0 : i32
      %dma_wait3A_32 = tpu.memref_slice %arg3[%mul3A_2, %dma_wait3A_31] : memref<10240x40xf32, #tpu.memory_space<hbm>> -> memref<640x40xf32, #tpu.memory_space<hbm>>
      tpu.wait_dma2 semaphore(%run_scoped3A : memref<!tpu.dma_semaphore, #tpu.memory_space<semaphore_mem>>) src(%dma_wait3A_32 : memref<640x40xf32, #tpu.memory_space<hbm>>) dst(%dma_wait3A_30 : memref<640x40xf32, #tpu.memory_space<vmem_shared>>)
      tpu.yield
    }) : () -> ()
    %eq3A = arith.constant 0 : i32
    %eq3A_3 = arith.cmpi eq, %arg0, %eq3A : i32
    %convert_element_type3A = arith.extui %eq3A_3 : i1 to i32
    %cond3A = arith.constant 0 : i32
    %cond3A_4 = arith.cmpi ne, %convert_element_type3A, %cond3A : i32
    scf.if %cond3A_4 {
      %mul3A_27 = arith.constant 78 : i32
      %mul3A_28 = arith.muli %add3A, %mul3A_27 : i32
      "tpu.region"() ({
        %run_scoped3A = tpu.sem_alloc : memref<!tpu.dma_semaphore, #tpu.memory_space<semaphore_mem>>
        %dma_start3A = arith.constant 0 : i32
        %dma_start3A_29 = arith.constant 0 : i32
        %dma_start3A_30 = tpu.memref_slice %arg8[%dma_start3A, %dma_start3A_29] : memref<79x128xi32, #tpu.memory_space<vmem>> -> memref<78x128xi32, #tpu.memory_space<vmem>>
        %dma_start3A_31 = arith.constant 0 : i32
        %dma_start3A_32 = tpu.memref_slice %arg4[%mul3A_28, %dma_start3A_31] : memref<2500x128xi32, #tpu.memory_space<hbm>> -> memref<78x128xi32, #tpu.memory_space<hbm>>
        %dma_start3A_33 = arith.constant 0 : i32
        %dma_start3A_34 = arith.constant 0 : i32
        %dma_start3A_35 = tpu.memref_slice %arg8[%dma_start3A_33, %dma_start3A_34] : memref<79x128xi32, #tpu.memory_space<vmem>> -> memref<78x128xi32, #tpu.memory_space<vmem>>
        %dma_start3A_36 = arith.constant 0 : i32
        %dma_start3A_37 = tpu.memref_slice %arg4[%mul3A_28, %dma_start3A_36] : memref<2500x128xi32, #tpu.memory_space<hbm>> -> memref<78x128xi32, #tpu.memory_space<hbm>>
        tpu.enqueue_dma source(%dma_start3A_37 : memref<78x128xi32, #tpu.memory_space<hbm>>) target(%dma_start3A_35 : memref<78x128xi32, #tpu.memory_space<vmem>>) target_semaphore(%run_scoped3A : memref<!tpu.dma_semaphore, #tpu.memory_space<semaphore_mem>>)
        %dma_wait3A = arith.constant 0 : i32
        %dma_wait3A_38 = arith.constant 0 : i32
        %dma_wait3A_39 = tpu.memref_slice %arg8[%dma_wait3A, %dma_wait3A_38] : memref<79x128xi32, #tpu.memory_space<vmem>> -> memref<78x128xi32, #tpu.memory_space<vmem>>
        %dma_wait3A_40 = arith.constant 0 : i32
        %dma_wait3A_41 = tpu.memref_slice %arg4[%mul3A_28, %dma_wait3A_40] : memref<2500x128xi32, #tpu.memory_space<hbm>> -> memref<78x128xi32, #tpu.memory_space<hbm>>
        %dma_wait3A_42 = arith.constant 0 : i32
        %dma_wait3A_43 = arith.constant 0 : i32
        %dma_wait3A_44 = tpu.memref_slice %arg8[%dma_wait3A_42, %dma_wait3A_43] : memref<79x128xi32, #tpu.memory_space<vmem>> -> memref<78x128xi32, #tpu.memory_space<vmem>>
        %dma_wait3A_45 = arith.constant 0 : i32
        %dma_wait3A_46 = tpu.memref_slice %arg4[%mul3A_28, %dma_wait3A_45] : memref<2500x128xi32, #tpu.memory_space<hbm>> -> memref<78x128xi32, #tpu.memory_space<hbm>>
        tpu.wait_dma2 semaphore(%run_scoped3A : memref<!tpu.dma_semaphore, #tpu.memory_space<semaphore_mem>>) src(%dma_wait3A_46 : memref<78x128xi32, #tpu.memory_space<hbm>>) dst(%dma_wait3A_44 : memref<78x128xi32, #tpu.memory_space<vmem>>)
        tpu.yield
      }) : () -> ()
    } else {
    }
    %eq3A_5 = arith.constant 1 : i32
    %eq3A_6 = arith.cmpi eq, %arg0, %eq3A_5 : i32
    %convert_element_type3A_7 = arith.extui %eq3A_6 : i1 to i32
    %cond3A_8 = arith.constant 0 : i32
    %cond3A_9 = arith.cmpi ne, %convert_element_type3A_7, %cond3A_8 : i32
    scf.if %cond3A_9 {
      %mul3A_27 = arith.constant 78 : i32
      %mul3A_28 = arith.muli %add3A, %mul3A_27 : i32
      "tpu.region"() ({
        %run_scoped3A = tpu.sem_alloc : memref<!tpu.dma_semaphore, #tpu.memory_space<semaphore_mem>>
        %dma_start3A = arith.constant 0 : i32
        %dma_start3A_29 = arith.constant 0 : i32
        %dma_start3A_30 = tpu.memref_slice %arg8[%dma_start3A, %dma_start3A_29] : memref<79x128xi32, #tpu.memory_space<vmem>> -> memref<78x128xi32, #tpu.memory_space<vmem>>
        %dma_start3A_31 = arith.constant 0 : i32
        %dma_start3A_32 = tpu.memref_slice %arg5[%mul3A_28, %dma_start3A_31] : memref<2500x128xi32, #tpu.memory_space<hbm>> -> memref<78x128xi32, #tpu.memory_space<hbm>>
        %dma_start3A_33 = arith.constant 0 : i32
        %dma_start3A_34 = arith.constant 0 : i32
        %dma_start3A_35 = tpu.memref_slice %arg8[%dma_start3A_33, %dma_start3A_34] : memref<79x128xi32, #tpu.memory_space<vmem>> -> memref<78x128xi32, #tpu.memory_space<vmem>>
        %dma_start3A_36 = arith.constant 0 : i32
        %dma_start3A_37 = tpu.memref_slice %arg5[%mul3A_28, %dma_start3A_36] : memref<2500x128xi32, #tpu.memory_space<hbm>> -> memref<78x128xi32, #tpu.memory_space<hbm>>
        tpu.enqueue_dma source(%dma_start3A_37 : memref<78x128xi32, #tpu.memory_space<hbm>>) target(%dma_start3A_35 : memref<78x128xi32, #tpu.memory_space<vmem>>) target_semaphore(%run_scoped3A : memref<!tpu.dma_semaphore, #tpu.memory_space<semaphore_mem>>)
        %dma_wait3A = arith.constant 0 : i32
        %dma_wait3A_38 = arith.constant 0 : i32
        %dma_wait3A_39 = tpu.memref_slice %arg8[%dma_wait3A, %dma_wait3A_38] : memref<79x128xi32, #tpu.memory_space<vmem>> -> memref<78x128xi32, #tpu.memory_space<vmem>>
        %dma_wait3A_40 = arith.constant 0 : i32
        %dma_wait3A_41 = tpu.memref_slice %arg5[%mul3A_28, %dma_wait3A_40] : memref<2500x128xi32, #tpu.memory_space<hbm>> -> memref<78x128xi32, #tpu.memory_space<hbm>>
        %dma_wait3A_42 = arith.constant 0 : i32
        %dma_wait3A_43 = arith.constant 0 : i32
        %dma_wait3A_44 = tpu.memref_slice %arg8[%dma_wait3A_42, %dma_wait3A_43] : memref<79x128xi32, #tpu.memory_space<vmem>> -> memref<78x128xi32, #tpu.memory_space<vmem>>
        %dma_wait3A_45 = arith.constant 0 : i32
        %dma_wait3A_46 = tpu.memref_slice %arg5[%mul3A_28, %dma_wait3A_45] : memref<2500x128xi32, #tpu.memory_space<hbm>> -> memref<78x128xi32, #tpu.memory_space<hbm>>
        tpu.wait_dma2 semaphore(%run_scoped3A : memref<!tpu.dma_semaphore, #tpu.memory_space<semaphore_mem>>) src(%dma_wait3A_46 : memref<78x128xi32, #tpu.memory_space<hbm>>) dst(%dma_wait3A_44 : memref<78x128xi32, #tpu.memory_space<vmem>>)
        tpu.yield
      }) : () -> ()
    } else {
    }
    %mul3A_10 = arith.constant 78 : i32
    %mul3A_11 = arith.muli %add3A, %mul3A_10 : i32
    "tpu.region"() ({
      %run_scoped3A = tpu.sem_alloc : memref<!tpu.dma_semaphore, #tpu.memory_space<semaphore_mem>>
      %dma_start3A = arith.constant 0 : i32
      %dma_start3A_27 = arith.constant 0 : i32
      %dma_start3A_28 = tpu.memref_slice %arg9[%dma_start3A, %dma_start3A_27] : memref<79x128xi32, #tpu.memory_space<vmem>> -> memref<78x128xi32, #tpu.memory_space<vmem>>
      %dma_start3A_29 = arith.constant 0 : i32
      %dma_start3A_30 = tpu.memref_slice %arg6[%mul3A_11, %dma_start3A_29] : memref<2500x128xi32, #tpu.memory_space<hbm>> -> memref<78x128xi32, #tpu.memory_space<hbm>>
      %dma_start3A_31 = arith.constant 0 : i32
      %dma_start3A_32 = arith.constant 0 : i32
      %dma_start3A_33 = tpu.memref_slice %arg9[%dma_start3A_31, %dma_start3A_32] : memref<79x128xi32, #tpu.memory_space<vmem>> -> memref<78x128xi32, #tpu.memory_space<vmem>>
      %dma_start3A_34 = arith.constant 0 : i32
      %dma_start3A_35 = tpu.memref_slice %arg6[%mul3A_11, %dma_start3A_34] : memref<2500x128xi32, #tpu.memory_space<hbm>> -> memref<78x128xi32, #tpu.memory_space<hbm>>
      tpu.enqueue_dma source(%dma_start3A_35 : memref<78x128xi32, #tpu.memory_space<hbm>>) target(%dma_start3A_33 : memref<78x128xi32, #tpu.memory_space<vmem>>) target_semaphore(%run_scoped3A : memref<!tpu.dma_semaphore, #tpu.memory_space<semaphore_mem>>)
      %dma_wait3A = arith.constant 0 : i32
      %dma_wait3A_36 = arith.constant 0 : i32
      %dma_wait3A_37 = tpu.memref_slice %arg9[%dma_wait3A, %dma_wait3A_36] : memref<79x128xi32, #tpu.memory_space<vmem>> -> memref<78x128xi32, #tpu.memory_space<vmem>>
      %dma_wait3A_38 = arith.constant 0 : i32
      %dma_wait3A_39 = tpu.memref_slice %arg6[%mul3A_11, %dma_wait3A_38] : memref<2500x128xi32, #tpu.memory_space<hbm>> -> memref<78x128xi32, #tpu.memory_space<hbm>>
      %dma_wait3A_40 = arith.constant 0 : i32
      %dma_wait3A_41 = arith.constant 0 : i32
      %dma_wait3A_42 = tpu.memref_slice %arg9[%dma_wait3A_40, %dma_wait3A_41] : memref<79x128xi32, #tpu.memory_space<vmem>> -> memref<78x128xi32, #tpu.memory_space<vmem>>
      %dma_wait3A_43 = arith.constant 0 : i32
      %dma_wait3A_44 = tpu.memref_slice %arg6[%mul3A_11, %dma_wait3A_43] : memref<2500x128xi32, #tpu.memory_space<hbm>> -> memref<78x128xi32, #tpu.memory_space<hbm>>
      tpu.wait_dma2 semaphore(%run_scoped3A : memref<!tpu.dma_semaphore, #tpu.memory_space<semaphore_mem>>) src(%dma_wait3A_44 : memref<78x128xi32, #tpu.memory_space<hbm>>) dst(%dma_wait3A_42 : memref<78x128xi32, #tpu.memory_space<vmem>>)
      tpu.yield
    }) : () -> ()
    %lt3A = arith.constant 4 : i32
    %lt3A_12 = arith.cmpi slt, %add3A, %lt3A : i32
    %convert_element_type3A_13 = arith.extui %lt3A_12 : i1 to i32
    %cond3A_14 = arith.constant 0 : i32
    %cond3A_15 = arith.cmpi ne, %convert_element_type3A_13, %cond3A_14 : i32
    scf.if %cond3A_15 {
      %eq3A_27 = arith.constant 0 : i32
      %eq3A_28 = arith.cmpi eq, %arg0, %eq3A_27 : i32
      %convert_element_type3A_29 = arith.extui %eq3A_28 : i1 to i32
      %cond3A_30 = arith.constant 0 : i32
      %cond3A_31 = arith.cmpi ne, %convert_element_type3A_29, %cond3A_30 : i32
      scf.if %cond3A_31 {
        %add3A_39 = arith.constant 2496 : i32
        %add3A_40 = arith.addi %add3A_39, %add3A : i32
        "tpu.region"() ({
          %run_scoped3A = tpu.sem_alloc : memref<!tpu.dma_semaphore, #tpu.memory_space<semaphore_mem>>
          %dma_start3A = arith.constant 78 : i32
          %dma_start3A_41 = arith.constant 0 : i32
          %dma_start3A_42 = tpu.memref_slice %arg8[%dma_start3A, %dma_start3A_41] : memref<79x128xi32, #tpu.memory_space<vmem>> -> memref<1x128xi32, #tpu.memory_space<vmem>>
          %dma_start3A_43 = arith.constant 0 : i32
          %dma_start3A_44 = tpu.memref_slice %arg4[%add3A_40, %dma_start3A_43] : memref<2500x128xi32, #tpu.memory_space<hbm>> -> memref<1x128xi32, #tpu.memory_space<hbm>>
          %dma_start3A_45 = arith.constant 78 : i32
          %dma_start3A_46 = arith.constant 0 : i32
          %dma_start3A_47 = tpu.memref_slice %arg8[%dma_start3A_45, %dma_start3A_46] : memref<79x128xi32, #tpu.memory_space<vmem>> -> memref<1x128xi32, #tpu.memory_space<vmem>>
          %dma_start3A_48 = arith.constant 0 : i32
          %dma_start3A_49 = tpu.memref_slice %arg4[%add3A_40, %dma_start3A_48] : memref<2500x128xi32, #tpu.memory_space<hbm>> -> memref<1x128xi32, #tpu.memory_space<hbm>>
          tpu.enqueue_dma source(%dma_start3A_49 : memref<1x128xi32, #tpu.memory_space<hbm>>) target(%dma_start3A_47 : memref<1x128xi32, #tpu.memory_space<vmem>>) target_semaphore(%run_scoped3A : memref<!tpu.dma_semaphore, #tpu.memory_space<semaphore_mem>>)
          %dma_wait3A = arith.constant 78 : i32
          %dma_wait3A_50 = arith.constant 0 : i32
          %dma_wait3A_51 = tpu.memref_slice %arg8[%dma_wait3A, %dma_wait3A_50] : memref<79x128xi32, #tpu.memory_space<vmem>> -> memref<1x128xi32, #tpu.memory_space<vmem>>
          %dma_wait3A_52 = arith.constant 0 : i32
          %dma_wait3A_53 = tpu.memref_slice %arg4[%add3A_40, %dma_wait3A_52] : memref<2500x128xi32, #tpu.memory_space<hbm>> -> memref<1x128xi32, #tpu.memory_space<hbm>>
          %dma_wait3A_54 = arith.constant 78 : i32
          %dma_wait3A_55 = arith.constant 0 : i32
          %dma_wait3A_56 = tpu.memref_slice %arg8[%dma_wait3A_54, %dma_wait3A_55] : memref<79x128xi32, #tpu.memory_space<vmem>> -> memref<1x128xi32, #tpu.memory_space<vmem>>
          %dma_wait3A_57 = arith.constant 0 : i32
          %dma_wait3A_58 = tpu.memref_slice %arg4[%add3A_40, %dma_wait3A_57] : memref<2500x128xi32, #tpu.memory_space<hbm>> -> memref<1x128xi32, #tpu.memory_space<hbm>>
          tpu.wait_dma2 semaphore(%run_scoped3A : memref<!tpu.dma_semaphore, #tpu.memory_space<semaphore_mem>>) src(%dma_wait3A_58 : memref<1x128xi32, #tpu.memory_space<hbm>>) dst(%dma_wait3A_56 : memref<1x128xi32, #tpu.memory_space<vmem>>)
          tpu.yield
        }) : () -> ()
      } else {
      }
      %eq3A_32 = arith.constant 1 : i32
      %eq3A_33 = arith.cmpi eq, %arg0, %eq3A_32 : i32
      %convert_element_type3A_34 = arith.extui %eq3A_33 : i1 to i32
      %cond3A_35 = arith.constant 0 : i32
      %cond3A_36 = arith.cmpi ne, %convert_element_type3A_34, %cond3A_35 : i32
      scf.if %cond3A_36 {
        %add3A_39 = arith.constant 2496 : i32
        %add3A_40 = arith.addi %add3A_39, %add3A : i32
        "tpu.region"() ({
          %run_scoped3A = tpu.sem_alloc : memref<!tpu.dma_semaphore, #tpu.memory_space<semaphore_mem>>
          %dma_start3A = arith.constant 78 : i32
          %dma_start3A_41 = arith.constant 0 : i32
          %dma_start3A_42 = tpu.memref_slice %arg8[%dma_start3A, %dma_start3A_41] : memref<79x128xi32, #tpu.memory_space<vmem>> -> memref<1x128xi32, #tpu.memory_space<vmem>>
          %dma_start3A_43 = arith.constant 0 : i32
          %dma_start3A_44 = tpu.memref_slice %arg5[%add3A_40, %dma_start3A_43] : memref<2500x128xi32, #tpu.memory_space<hbm>> -> memref<1x128xi32, #tpu.memory_space<hbm>>
          %dma_start3A_45 = arith.constant 78 : i32
          %dma_start3A_46 = arith.constant 0 : i32
          %dma_start3A_47 = tpu.memref_slice %arg8[%dma_start3A_45, %dma_start3A_46] : memref<79x128xi32, #tpu.memory_space<vmem>> -> memref<1x128xi32, #tpu.memory_space<vmem>>
          %dma_start3A_48 = arith.constant 0 : i32
          %dma_start3A_49 = tpu.memref_slice %arg5[%add3A_40, %dma_start3A_48] : memref<2500x128xi32, #tpu.memory_space<hbm>> -> memref<1x128xi32, #tpu.memory_space<hbm>>
          tpu.enqueue_dma source(%dma_start3A_49 : memref<1x128xi32, #tpu.memory_space<hbm>>) target(%dma_start3A_47 : memref<1x128xi32, #tpu.memory_space<vmem>>) target_semaphore(%run_scoped3A : memref<!tpu.dma_semaphore, #tpu.memory_space<semaphore_mem>>)
          %dma_wait3A = arith.constant 78 : i32
          %dma_wait3A_50 = arith.constant 0 : i32
          %dma_wait3A_51 = tpu.memref_slice %arg8[%dma_wait3A, %dma_wait3A_50] : memref<79x128xi32, #tpu.memory_space<vmem>> -> memref<1x128xi32, #tpu.memory_space<vmem>>
          %dma_wait3A_52 = arith.constant 0 : i32
          %dma_wait3A_53 = tpu.memref_slice %arg5[%add3A_40, %dma_wait3A_52] : memref<2500x128xi32, #tpu.memory_space<hbm>> -> memref<1x128xi32, #tpu.memory_space<hbm>>
          %dma_wait3A_54 = arith.constant 78 : i32
          %dma_wait3A_55 = arith.constant 0 : i32
          %dma_wait3A_56 = tpu.memref_slice %arg8[%dma_wait3A_54, %dma_wait3A_55] : memref<79x128xi32, #tpu.memory_space<vmem>> -> memref<1x128xi32, #tpu.memory_space<vmem>>
          %dma_wait3A_57 = arith.constant 0 : i32
          %dma_wait3A_58 = tpu.memref_slice %arg5[%add3A_40, %dma_wait3A_57] : memref<2500x128xi32, #tpu.memory_space<hbm>> -> memref<1x128xi32, #tpu.memory_space<hbm>>
          tpu.wait_dma2 semaphore(%run_scoped3A : memref<!tpu.dma_semaphore, #tpu.memory_space<semaphore_mem>>) src(%dma_wait3A_58 : memref<1x128xi32, #tpu.memory_space<hbm>>) dst(%dma_wait3A_56 : memref<1x128xi32, #tpu.memory_space<vmem>>)
          tpu.yield
        }) : () -> ()
      } else {
      }
      %add3A_37 = arith.constant 2496 : i32
      %add3A_38 = arith.addi %add3A_37, %add3A : i32
      "tpu.region"() ({
        %run_scoped3A = tpu.sem_alloc : memref<!tpu.dma_semaphore, #tpu.memory_space<semaphore_mem>>
        %dma_start3A = arith.constant 78 : i32
        %dma_start3A_39 = arith.constant 0 : i32
        %dma_start3A_40 = tpu.memref_slice %arg9[%dma_start3A, %dma_start3A_39] : memref<79x128xi32, #tpu.memory_space<vmem>> -> memref<1x128xi32, #tpu.memory_space<vmem>>
        %dma_start3A_41 = arith.constant 0 : i32
        %dma_start3A_42 = tpu.memref_slice %arg6[%add3A_38, %dma_start3A_41] : memref<2500x128xi32, #tpu.memory_space<hbm>> -> memref<1x128xi32, #tpu.memory_space<hbm>>
        %dma_start3A_43 = arith.constant 78 : i32
        %dma_start3A_44 = arith.constant 0 : i32
        %dma_start3A_45 = tpu.memref_slice %arg9[%dma_start3A_43, %dma_start3A_44] : memref<79x128xi32, #tpu.memory_space<vmem>> -> memref<1x128xi32, #tpu.memory_space<vmem>>
        %dma_start3A_46 = arith.constant 0 : i32
        %dma_start3A_47 = tpu.memref_slice %arg6[%add3A_38, %dma_start3A_46] : memref<2500x128xi32, #tpu.memory_space<hbm>> -> memref<1x128xi32, #tpu.memory_space<hbm>>
        tpu.enqueue_dma source(%dma_start3A_47 : memref<1x128xi32, #tpu.memory_space<hbm>>) target(%dma_start3A_45 : memref<1x128xi32, #tpu.memory_space<vmem>>) target_semaphore(%run_scoped3A : memref<!tpu.dma_semaphore, #tpu.memory_space<semaphore_mem>>)
        %dma_wait3A = arith.constant 78 : i32
        %dma_wait3A_48 = arith.constant 0 : i32
        %dma_wait3A_49 = tpu.memref_slice %arg9[%dma_wait3A, %dma_wait3A_48] : memref<79x128xi32, #tpu.memory_space<vmem>> -> memref<1x128xi32, #tpu.memory_space<vmem>>
        %dma_wait3A_50 = arith.constant 0 : i32
        %dma_wait3A_51 = tpu.memref_slice %arg6[%add3A_38, %dma_wait3A_50] : memref<2500x128xi32, #tpu.memory_space<hbm>> -> memref<1x128xi32, #tpu.memory_space<hbm>>
        %dma_wait3A_52 = arith.constant 78 : i32
        %dma_wait3A_53 = arith.constant 0 : i32
        %dma_wait3A_54 = tpu.memref_slice %arg9[%dma_wait3A_52, %dma_wait3A_53] : memref<79x128xi32, #tpu.memory_space<vmem>> -> memref<1x128xi32, #tpu.memory_space<vmem>>
        %dma_wait3A_55 = arith.constant 0 : i32
        %dma_wait3A_56 = tpu.memref_slice %arg6[%add3A_38, %dma_wait3A_55] : memref<2500x128xi32, #tpu.memory_space<hbm>> -> memref<1x128xi32, #tpu.memory_space<hbm>>
        tpu.wait_dma2 semaphore(%run_scoped3A : memref<!tpu.dma_semaphore, #tpu.memory_space<semaphore_mem>>) src(%dma_wait3A_56 : memref<1x128xi32, #tpu.memory_space<hbm>>) dst(%dma_wait3A_54 : memref<1x128xi32, #tpu.memory_space<vmem>>)
        tpu.yield
      }) : () -> ()
    } else {
    }
    %barrier3A = arith.constant 0 : index
    tpu.barrier barrier_id(%barrier3A)
    %scan3A = arith.constant 0 : i32
    %scan3A_16 = arith.constant 0 : i32
    %scan3A_17 = arith.constant 39 : i32
    %scan3A_18 = arith.addi %scan3A_16, %scan3A_17 : i32
    %scan3A_19 = arith.constant 1 : i32
    scf.for %scan3A_27 = %scan3A_16 to %scan3A_18 step %scan3A_19  : i32 {
      %mul3A_28 = arith.constant 2 : i32
      %mul3A_29 = arith.muli %mul3A_28, %scan3A_27 : i32
      %add3A_30 = arith.constant 1 : i32
      %add3A_31 = arith.addi %mul3A_29, %add3A_30 : i32
      %dma_start3A = arith.constant 0 : i32
      %dma_start3A_32 = tpu.memref_slice %arg8[%mul3A_29, %dma_start3A] : memref<79x128xi32, #tpu.memory_space<vmem>> -> memref<1x128xi32, #tpu.memory_space<vmem>>
      %dma_start3A_33 = tpu.memref_squeeze %dma_start3A_32 : memref<1x128xi32, #tpu.memory_space<vmem>> -> memref<128xi32, #tpu.memory_space<vmem>>
      %dma_start3A_34 = arith.constant 0 : i32
      %dma_start3A_35 = arith.constant 0 : i32
      %dma_start3A_36 = tpu.memref_slice %arg2[%dma_start3A_34, %dma_start3A_35] : memref<20480x40xf32, #tpu.memory_space<hbm>> -> memref<20480x40xf32, #tpu.memory_space<hbm>>
      tpu.enqueue_indirect_dma source(%dma_start3A_36 : memref<20480x40xf32, #tpu.memory_space<hbm>>) target(%arg10 : memref<128x40xf32, #tpu.memory_space<vmem>>) offsets(%dma_start3A_33 : memref<128xi32, #tpu.memory_space<vmem>>) semaphore(%arg13 : memref<!tpu.dma_semaphore, #tpu.memory_space<semaphore_mem>>)
      %dma_start3A_37 = arith.constant 0 : i32
      %dma_start3A_38 = tpu.memref_slice %arg8[%add3A_31, %dma_start3A_37] : memref<79x128xi32, #tpu.memory_space<vmem>> -> memref<1x128xi32, #tpu.memory_space<vmem>>
      %dma_start3A_39 = tpu.memref_squeeze %dma_start3A_38 : memref<1x128xi32, #tpu.memory_space<vmem>> -> memref<128xi32, #tpu.memory_space<vmem>>
      %dma_start3A_40 = arith.constant 0 : i32
      %dma_start3A_41 = arith.constant 0 : i32
      %dma_start3A_42 = tpu.memref_slice %arg2[%dma_start3A_40, %dma_start3A_41] : memref<20480x40xf32, #tpu.memory_space<hbm>> -> memref<20480x40xf32, #tpu.memory_space<hbm>>
      tpu.enqueue_indirect_dma source(%dma_start3A_42 : memref<20480x40xf32, #tpu.memory_space<hbm>>) target(%arg11 : memref<128x40xf32, #tpu.memory_space<vmem>>) offsets(%dma_start3A_39 : memref<128xi32, #tpu.memory_space<vmem>>) semaphore(%arg14 : memref<!tpu.dma_semaphore, #tpu.memory_space<semaphore_mem>>)
      %dma_wait3A = arith.constant 0 : i32
      %dma_wait3A_43 = tpu.memref_slice %arg8[%mul3A_29, %dma_wait3A] : memref<79x128xi32, #tpu.memory_space<vmem>> -> memref<1x128xi32, #tpu.memory_space<vmem>>
      %dma_wait3A_44 = tpu.memref_squeeze %dma_wait3A_43 : memref<1x128xi32, #tpu.memory_space<vmem>> -> memref<128xi32, #tpu.memory_space<vmem>>
      %dma_wait3A_45 = arith.constant 0 : i32
      %dma_wait3A_46 = arith.constant 0 : i32
      %dma_wait3A_47 = tpu.memref_slice %arg2[%dma_wait3A_45, %dma_wait3A_46] : memref<20480x40xf32, #tpu.memory_space<hbm>> -> memref<20480x40xf32, #tpu.memory_space<hbm>>
      tpu.wait_indirect_dma semaphore(%arg13 : memref<!tpu.dma_semaphore, #tpu.memory_space<semaphore_mem>>) src(%dma_wait3A_47 : memref<20480x40xf32, #tpu.memory_space<hbm>>) dst(%arg10 : memref<128x40xf32, #tpu.memory_space<vmem>>)
      "tpu.region"() ({
        %run_scoped3A = tpu.sem_alloc : memref<!tpu.dma_semaphore, #tpu.memory_space<semaphore_mem>>
        %dma_start3A_54 = arith.constant 0 : i32
        %dma_start3A_55 = tpu.memref_slice %arg9[%mul3A_29, %dma_start3A_54] : memref<79x128xi32, #tpu.memory_space<vmem>> -> memref<1x128xi32, #tpu.memory_space<vmem>>
        %dma_start3A_56 = tpu.memref_squeeze %dma_start3A_55 : memref<1x128xi32, #tpu.memory_space<vmem>> -> memref<128xi32, #tpu.memory_space<vmem>>
        %dma_start3A_57 = arith.constant 0 : i32
        %dma_start3A_58 = arith.constant 0 : i32
        %dma_start3A_59 = tpu.memref_slice %arg12[%dma_start3A_57, %dma_start3A_58] : memref<10240x40xf32, #tpu.memory_space<vmem_shared>> -> memref<10240x40xf32, #tpu.memory_space<vmem_shared>>
        tpu.enqueue_indirect_dma source(%arg10 : memref<128x40xf32, #tpu.memory_space<vmem>>) target(%dma_start3A_59 : memref<10240x40xf32, #tpu.memory_space<vmem_shared>>) offsets(%dma_start3A_56 : memref<128xi32, #tpu.memory_space<vmem>>) semaphore(%run_scoped3A : memref<!tpu.dma_semaphore, #tpu.memory_space<semaphore_mem>>) {add = true}
        %dma_wait3A_60 = arith.constant 0 : i32
        %dma_wait3A_61 = tpu.memref_slice %arg9[%mul3A_29, %dma_wait3A_60] : memref<79x128xi32, #tpu.memory_space<vmem>> -> memref<1x128xi32, #tpu.memory_space<vmem>>
        %dma_wait3A_62 = tpu.memref_squeeze %dma_wait3A_61 : memref<1x128xi32, #tpu.memory_space<vmem>> -> memref<128xi32, #tpu.memory_space<vmem>>
        %dma_wait3A_63 = arith.constant 0 : i32
        %dma_wait3A_64 = arith.constant 0 : i32
        %dma_wait3A_65 = tpu.memref_slice %arg12[%dma_wait3A_63, %dma_wait3A_64] : memref<10240x40xf32, #tpu.memory_space<vmem_shared>> -> memref<10240x40xf32, #tpu.memory_space<vmem_shared>>
        tpu.wait_indirect_dma semaphore(%run_scoped3A : memref<!tpu.dma_semaphore, #tpu.memory_space<semaphore_mem>>) src(%arg10 : memref<128x40xf32, #tpu.memory_space<vmem>>) dst(%dma_wait3A_65 : memref<10240x40xf32, #tpu.memory_space<vmem_shared>>)
        tpu.yield
      }) : () -> ()
      %dma_wait3A_48 = arith.constant 0 : i32
      %dma_wait3A_49 = tpu.memref_slice %arg8[%add3A_31, %dma_wait3A_48] : memref<79x128xi32, #tpu.memory_space<vmem>> -> memref<1x128xi32, #tpu.memory_space<vmem>>
      %dma_wait3A_50 = tpu.memref_squeeze %dma_wait3A_49 : memref<1x128xi32, #tpu.memory_space<vmem>> -> memref<128xi32, #tpu.memory_space<vmem>>
      %dma_wait3A_51 = arith.constant 0 : i32
      %dma_wait3A_52 = arith.constant 0 : i32
      %dma_wait3A_53 = tpu.memref_slice %arg2[%dma_wait3A_51, %dma_wait3A_52] : memref<20480x40xf32, #tpu.memory_space<hbm>> -> memref<20480x40xf32, #tpu.memory_space<hbm>>
      tpu.wait_indirect_dma semaphore(%arg14 : memref<!tpu.dma_semaphore, #tpu.memory_space<semaphore_mem>>) src(%dma_wait3A_53 : memref<20480x40xf32, #tpu.memory_space<hbm>>) dst(%arg11 : memref<128x40xf32, #tpu.memory_space<vmem>>)
      "tpu.region"() ({
        %run_scoped3A = tpu.sem_alloc : memref<!tpu.dma_semaphore, #tpu.memory_space<semaphore_mem>>
        %dma_start3A_54 = arith.constant 0 : i32
        %dma_start3A_55 = tpu.memref_slice %arg9[%add3A_31, %dma_start3A_54] : memref<79x128xi32, #tpu.memory_space<vmem>> -> memref<1x128xi32, #tpu.memory_space<vmem>>
        %dma_start3A_56 = tpu.memref_squeeze %dma_start3A_55 : memref<1x128xi32, #tpu.memory_space<vmem>> -> memref<128xi32, #tpu.memory_space<vmem>>
        %dma_start3A_57 = arith.constant 0 : i32
        %dma_start3A_58 = arith.constant 0 : i32
        %dma_start3A_59 = tpu.memref_slice %arg12[%dma_start3A_57, %dma_start3A_58] : memref<10240x40xf32, #tpu.memory_space<vmem_shared>> -> memref<10240x40xf32, #tpu.memory_space<vmem_shared>>
        tpu.enqueue_indirect_dma source(%arg11 : memref<128x40xf32, #tpu.memory_space<vmem>>) target(%dma_start3A_59 : memref<10240x40xf32, #tpu.memory_space<vmem_shared>>) offsets(%dma_start3A_56 : memref<128xi32, #tpu.memory_space<vmem>>) semaphore(%run_scoped3A : memref<!tpu.dma_semaphore, #tpu.memory_space<semaphore_mem>>) {add = true}
        %dma_wait3A_60 = arith.constant 0 : i32
        %dma_wait3A_61 = tpu.memref_slice %arg9[%add3A_31, %dma_wait3A_60] : memref<79x128xi32, #tpu.memory_space<vmem>> -> memref<1x128xi32, #tpu.memory_space<vmem>>
        %dma_wait3A_62 = tpu.memref_squeeze %dma_wait3A_61 : memref<1x128xi32, #tpu.memory_space<vmem>> -> memref<128xi32, #tpu.memory_space<vmem>>
        %dma_wait3A_63 = arith.constant 0 : i32
        %dma_wait3A_64 = arith.constant 0 : i32
        %dma_wait3A_65 = tpu.memref_slice %arg12[%dma_wait3A_63, %dma_wait3A_64] : memref<10240x40xf32, #tpu.memory_space<vmem_shared>> -> memref<10240x40xf32, #tpu.memory_space<vmem_shared>>
        tpu.wait_indirect_dma semaphore(%run_scoped3A : memref<!tpu.dma_semaphore, #tpu.memory_space<semaphore_mem>>) src(%arg11 : memref<128x40xf32, #tpu.memory_space<vmem>>) dst(%dma_wait3A_65 : memref<10240x40xf32, #tpu.memory_space<vmem_shared>>)
        tpu.yield
      }) : () -> ()
    }
    %scan3A_20 = arith.constant 39 : i32
    %lt3A_21 = arith.constant 4 : i32
    %lt3A_22 = arith.cmpi slt, %add3A, %lt3A_21 : i32
    %convert_element_type3A_23 = arith.extui %lt3A_22 : i1 to i32
    %cond3A_24 = arith.constant 0 : i32
    %cond3A_25 = arith.cmpi ne, %convert_element_type3A_23, %cond3A_24 : i32
    scf.if %cond3A_25 {
      %dma_start3A = arith.constant 78 : i32
      %dma_start3A_27 = arith.constant 0 : i32
      %dma_start3A_28 = tpu.memref_slice %arg8[%dma_start3A, %dma_start3A_27] : memref<79x128xi32, #tpu.memory_space<vmem>> -> memref<1x128xi32, #tpu.memory_space<vmem>>
      %dma_start3A_29 = tpu.memref_squeeze %dma_start3A_28 : memref<1x128xi32, #tpu.memory_space<vmem>> -> memref<128xi32, #tpu.memory_space<vmem>>
      %dma_start3A_30 = arith.constant 0 : i32
      %dma_start3A_31 = arith.constant 0 : i32
      %dma_start3A_32 = tpu.memref_slice %arg2[%dma_start3A_30, %dma_start3A_31] : memref<20480x40xf32, #tpu.memory_space<hbm>> -> memref<20480x40xf32, #tpu.memory_space<hbm>>
      tpu.enqueue_indirect_dma source(%dma_start3A_32 : memref<20480x40xf32, #tpu.memory_space<hbm>>) target(%arg10 : memref<128x40xf32, #tpu.memory_space<vmem>>) offsets(%dma_start3A_29 : memref<128xi32, #tpu.memory_space<vmem>>) semaphore(%arg13 : memref<!tpu.dma_semaphore, #tpu.memory_space<semaphore_mem>>)
      %dma_wait3A = arith.constant 78 : i32
      %dma_wait3A_33 = arith.constant 0 : i32
      %dma_wait3A_34 = tpu.memref_slice %arg8[%dma_wait3A, %dma_wait3A_33] : memref<79x128xi32, #tpu.memory_space<vmem>> -> memref<1x128xi32, #tpu.memory_space<vmem>>
      %dma_wait3A_35 = tpu.memref_squeeze %dma_wait3A_34 : memref<1x128xi32, #tpu.memory_space<vmem>> -> memref<128xi32, #tpu.memory_space<vmem>>
      %dma_wait3A_36 = arith.constant 0 : i32
      %dma_wait3A_37 = arith.constant 0 : i32
      %dma_wait3A_38 = tpu.memref_slice %arg2[%dma_wait3A_36, %dma_wait3A_37] : memref<20480x40xf32, #tpu.memory_space<hbm>> -> memref<20480x40xf32, #tpu.memory_space<hbm>>
      tpu.wait_indirect_dma semaphore(%arg13 : memref<!tpu.dma_semaphore, #tpu.memory_space<semaphore_mem>>) src(%dma_wait3A_38 : memref<20480x40xf32, #tpu.memory_space<hbm>>) dst(%arg10 : memref<128x40xf32, #tpu.memory_space<vmem>>)
      %run_scoped3A = arith.constant 78 : i32
      "tpu.region"() ({
        %run_scoped3A_39 = tpu.sem_alloc : memref<!tpu.dma_semaphore, #tpu.memory_space<semaphore_mem>>
        %dma_start3A_40 = arith.constant 0 : i32
        %dma_start3A_41 = tpu.memref_slice %arg9[%run_scoped3A, %dma_start3A_40] : memref<79x128xi32, #tpu.memory_space<vmem>> -> memref<1x128xi32, #tpu.memory_space<vmem>>
        %dma_start3A_42 = tpu.memref_squeeze %dma_start3A_41 : memref<1x128xi32, #tpu.memory_space<vmem>> -> memref<128xi32, #tpu.memory_space<vmem>>
        %dma_start3A_43 = arith.constant 0 : i32
        %dma_start3A_44 = arith.constant 0 : i32
        %dma_start3A_45 = tpu.memref_slice %arg12[%dma_start3A_43, %dma_start3A_44] : memref<10240x40xf32, #tpu.memory_space<vmem_shared>> -> memref<10240x40xf32, #tpu.memory_space<vmem_shared>>
        tpu.enqueue_indirect_dma source(%arg10 : memref<128x40xf32, #tpu.memory_space<vmem>>) target(%dma_start3A_45 : memref<10240x40xf32, #tpu.memory_space<vmem_shared>>) offsets(%dma_start3A_42 : memref<128xi32, #tpu.memory_space<vmem>>) semaphore(%run_scoped3A_39 : memref<!tpu.dma_semaphore, #tpu.memory_space<semaphore_mem>>) {add = true}
        %dma_wait3A_46 = arith.constant 0 : i32
        %dma_wait3A_47 = tpu.memref_slice %arg9[%run_scoped3A, %dma_wait3A_46] : memref<79x128xi32, #tpu.memory_space<vmem>> -> memref<1x128xi32, #tpu.memory_space<vmem>>
        %dma_wait3A_48 = tpu.memref_squeeze %dma_wait3A_47 : memref<1x128xi32, #tpu.memory_space<vmem>> -> memref<128xi32, #tpu.memory_space<vmem>>
        %dma_wait3A_49 = arith.constant 0 : i32
        %dma_wait3A_50 = arith.constant 0 : i32
        %dma_wait3A_51 = tpu.memref_slice %arg12[%dma_wait3A_49, %dma_wait3A_50] : memref<10240x40xf32, #tpu.memory_space<vmem_shared>> -> memref<10240x40xf32, #tpu.memory_space<vmem_shared>>
        tpu.wait_indirect_dma semaphore(%run_scoped3A_39 : memref<!tpu.dma_semaphore, #tpu.memory_space<semaphore_mem>>) src(%arg10 : memref<128x40xf32, #tpu.memory_space<vmem>>) dst(%dma_wait3A_51 : memref<10240x40xf32, #tpu.memory_space<vmem_shared>>)
        tpu.yield
      }) : () -> ()
    } else {
    }
    %barrier3A_26 = arith.constant 0 : index
    tpu.barrier barrier_id(%barrier3A_26)
    "tpu.region"() ({
      %run_scoped3A = tpu.sem_alloc : memref<!tpu.dma_semaphore, #tpu.memory_space<semaphore_mem>>
      %dma_start3A = arith.constant 0 : i32
      %dma_start3A_27 = tpu.memref_slice %arg7[%arg0, %mul3A_2, %dma_start3A] : memref<2x10240x40xf32, #tpu.memory_space<hbm>> -> memref<1x640x40xf32, #tpu.memory_space<hbm>>
      %dma_start3A_28 = tpu.memref_squeeze %dma_start3A_27 : memref<1x640x40xf32, #tpu.memory_space<hbm>> -> memref<640x40xf32, #tpu.memory_space<hbm>>
      %dma_start3A_29 = arith.constant 0 : i32
      %dma_start3A_30 = tpu.memref_slice %arg12[%mul3A_2, %dma_start3A_29] : memref<10240x40xf32, #tpu.memory_space<vmem_shared>> -> memref<640x40xf32, #tpu.memory_space<vmem_shared>>
      tpu.enqueue_dma source(%dma_start3A_30 : memref<640x40xf32, #tpu.memory_space<vmem_shared>>) target(%dma_start3A_28 : memref<640x40xf32, #tpu.memory_space<hbm>>) target_semaphore(%run_scoped3A : memref<!tpu.dma_semaphore, #tpu.memory_space<semaphore_mem>>)
      %dma_wait3A = arith.constant 0 : i32
      %dma_wait3A_31 = tpu.memref_slice %arg7[%arg0, %mul3A_2, %dma_wait3A] : memref<2x10240x40xf32, #tpu.memory_space<hbm>> -> memref<1x640x40xf32, #tpu.memory_space<hbm>>
      %dma_wait3A_32 = tpu.memref_squeeze %dma_wait3A_31 : memref<1x640x40xf32, #tpu.memory_space<hbm>> -> memref<640x40xf32, #tpu.memory_space<hbm>>
      %dma_wait3A_33 = arith.constant 0 : i32
      %dma_wait3A_34 = tpu.memref_slice %arg12[%mul3A_2, %dma_wait3A_33] : memref<10240x40xf32, #tpu.memory_space<vmem_shared>> -> memref<640x40xf32, #tpu.memory_space<vmem_shared>>
      tpu.wait_dma2 semaphore(%run_scoped3A : memref<!tpu.dma_semaphore, #tpu.memory_space<semaphore_mem>>) src(%dma_wait3A_34 : memref<640x40xf32, #tpu.memory_space<vmem_shared>>) dst(%dma_wait3A_32 : memref<640x40xf32, #tpu.memory_space<hbm>>)
      tpu.yield
    }) : () -> ()
    return
  }
}

module attributes {stable_mosaic.version = 14 : i64} {
  func.func @_proj_body(%arg0: i32, %arg1: memref<640x128xf32, #tpu.memory_space<vmem>>, %arg2: memref<128x128xf32, #tpu.memory_space<vmem>>, %arg3: memref<128x128xf32, #tpu.memory_space<vmem>>, %arg4: memref<1x128xf32, #tpu.memory_space<vmem>>, %arg5: memref<2x640x64xf32, #tpu.memory_space<vmem>>, %arg6: memref<2x640x64xf32, #tpu.memory_space<vmem>>) attributes {dimension_semantics = [#tpu.dimension_semantics<arbitrary>], iteration_bounds = array<i64: 16>, scalar_prefetch = 0 : i64, scratch_operands = 0 : i64, tpu.core_type = #tpu.core_type<tc>, window_params = [{transform_indices = @transform_0, window_bounds = array<i64: 640, 128>}, {pipeline_mode = #tpu.pipeline_mode<synchronous>, transform_indices = @transform_1, window_bounds = array<i64: 128, 128>}, {pipeline_mode = #tpu.pipeline_mode<synchronous>, transform_indices = @transform_2, window_bounds = array<i64: 128, 128>}, {pipeline_mode = #tpu.pipeline_mode<synchronous>, transform_indices = @transform_3, window_bounds = array<i64: 1, 128>}, {transform_indices = @transform_4, window_bounds = array<i64: 2, 640, 64>}, {transform_indices = @transform_5, window_bounds = array<i64: 2, 640, 64>}]} {
    %get3A = arith.constant 0 : index
    %get3A_0 = arith.constant 0 : index
    %get3A_1 = vector.load %arg1[%get3A, %get3A_0] : memref<640x128xf32, #tpu.memory_space<vmem>>, vector<640x128xf32>
    %get3A_2 = arith.constant 0 : index
    %get3A_3 = arith.constant 0 : index
    %get3A_4 = vector.load %arg2[%get3A_2, %get3A_3] : memref<128x128xf32, #tpu.memory_space<vmem>>, vector<128x128xf32>
    %dot_general3A = arith.constant dense<0.000000e+00> : vector<640x128xf32>
    %dot_general3A_5 = tpu.matmul %get3A_1, %get3A_4, %dot_general3A {dimension_numbers = #tpu.dot_dimension_numbers<[1], [0], [0], [1], [0, 0, 1, 1], [], []>, precision = #tpu.contract_precision<fp32>, transpose_lhs_hint = false} : vector<640x128xf32>, vector<128x128xf32>, vector<640x128xf32> -> vector<640x128xf32>
    %get3A_6 = arith.constant 0 : index
    %get3A_7 = arith.constant 0 : index
    %get3A_8 = vector.load %arg3[%get3A_6, %get3A_7] : memref<128x128xf32, #tpu.memory_space<vmem>>, vector<128x128xf32>
    %dot_general3A_9 = arith.constant dense<0.000000e+00> : vector<640x128xf32>
    %dot_general3A_10 = tpu.matmul %get3A_1, %get3A_8, %dot_general3A_9 {dimension_numbers = #tpu.dot_dimension_numbers<[1], [0], [0], [1], [0, 0, 1, 1], [], []>, precision = #tpu.contract_precision<fp32>, transpose_lhs_hint = false} : vector<640x128xf32>, vector<128x128xf32>, vector<640x128xf32> -> vector<640x128xf32>
    %get3A_11 = arith.constant 0 : index
    %get3A_12 = arith.constant 0 : index
    %get3A_13 = vector.load %arg4[%get3A_11, %get3A_12] : memref<1x128xf32, #tpu.memory_space<vmem>>, vector<1x128xf32>
    %add3A = vector.broadcast %get3A_13 : vector<1x128xf32> to vector<640x128xf32>
    %add3A_14 = arith.addf %dot_general3A_10, %add3A : vector<640x128xf32>
    %slice3A = vector.extract_strided_slice %dot_general3A_5 {offsets = [0, 0], sizes = [640, 64], strides = [1, 1]} : vector<640x128xf32> to vector<640x64xf32>
    %swap3A = arith.constant 0 : index
    %swap3A_15 = arith.constant 0 : index
    %swap3A_16 = arith.constant 0 : index
    %swap3A_17 = vector.load %arg5[%swap3A, %swap3A_15, %swap3A_16] : memref<2x640x64xf32, #tpu.memory_space<vmem>>, vector<1x640x64xf32>
    %swap3A_18 = vector.shape_cast %swap3A_17 : vector<1x640x64xf32> to vector<640x64xf32>
    %swap3A_19 = vector.shape_cast %slice3A : vector<640x64xf32> to vector<1x640x64xf32>
    tpu.vector_store %arg5[%swap3A, %swap3A_15, %swap3A_16], %swap3A_19 {strides = array<i32>} : memref<2x640x64xf32, #tpu.memory_space<vmem>>, vector<1x640x64xf32>,
    %slice3A_20 = vector.extract_strided_slice %dot_general3A_5 {offsets = [0, 64], sizes = [640, 64], strides = [1, 1]} : vector<640x128xf32> to vector<640x64xf32>
    %swap3A_21 = arith.constant 1 : index
    %swap3A_22 = arith.constant 0 : index
    %swap3A_23 = arith.constant 0 : index
    %swap3A_24 = vector.load %arg5[%swap3A_21, %swap3A_22, %swap3A_23] : memref<2x640x64xf32, #tpu.memory_space<vmem>>, vector<1x640x64xf32>
    %swap3A_25 = vector.shape_cast %swap3A_24 : vector<1x640x64xf32> to vector<640x64xf32>
    %swap3A_26 = vector.shape_cast %slice3A_20 : vector<640x64xf32> to vector<1x640x64xf32>
    tpu.vector_store %arg5[%swap3A_21, %swap3A_22, %swap3A_23], %swap3A_26 {strides = array<i32>} : memref<2x640x64xf32, #tpu.memory_space<vmem>>, vector<1x640x64xf32>,
    %slice3A_27 = vector.extract_strided_slice %add3A_14 {offsets = [0, 0], sizes = [640, 64], strides = [1, 1]} : vector<640x128xf32> to vector<640x64xf32>
    %swap3A_28 = arith.constant 0 : index
    %swap3A_29 = arith.constant 0 : index
    %swap3A_30 = arith.constant 0 : index
    %swap3A_31 = vector.load %arg6[%swap3A_28, %swap3A_29, %swap3A_30] : memref<2x640x64xf32, #tpu.memory_space<vmem>>, vector<1x640x64xf32>
    %swap3A_32 = vector.shape_cast %swap3A_31 : vector<1x640x64xf32> to vector<640x64xf32>
    %swap3A_33 = vector.shape_cast %slice3A_27 : vector<640x64xf32> to vector<1x640x64xf32>
    tpu.vector_store %arg6[%swap3A_28, %swap3A_29, %swap3A_30], %swap3A_33 {strides = array<i32>} : memref<2x640x64xf32, #tpu.memory_space<vmem>>, vector<1x640x64xf32>,
    %slice3A_34 = vector.extract_strided_slice %add3A_14 {offsets = [0, 64], sizes = [640, 64], strides = [1, 1]} : vector<640x128xf32> to vector<640x64xf32>
    %swap3A_35 = arith.constant 1 : index
    %swap3A_36 = arith.constant 0 : index
    %swap3A_37 = arith.constant 0 : index
    %swap3A_38 = vector.load %arg6[%swap3A_35, %swap3A_36, %swap3A_37] : memref<2x640x64xf32, #tpu.memory_space<vmem>>, vector<1x640x64xf32>
    %swap3A_39 = vector.shape_cast %swap3A_38 : vector<1x640x64xf32> to vector<640x64xf32>
    %swap3A_40 = vector.shape_cast %slice3A_34 : vector<640x64xf32> to vector<1x640x64xf32>
    tpu.vector_store %arg6[%swap3A_35, %swap3A_36, %swap3A_37], %swap3A_40 {strides = array<i32>} : memref<2x640x64xf32, #tpu.memory_space<vmem>>, vector<1x640x64xf32>,
    return
  }
  func.func @transform_0(%arg0: i32) -> (i32, i32) {
    %c0_i32 = arith.constant 0 : i32
    %c0_i32_0 = arith.constant 0 : i32
    return %arg0, %c0_i32 : i32, i32
  }
  func.func @transform_1(%arg0: i32) -> (i32, i32) {
    %c0_i32 = arith.constant 0 : i32
    %c0_i32_0 = arith.constant 0 : i32
    %c0_i32_1 = arith.constant 0 : i32
    return %c0_i32, %c0_i32_0 : i32, i32
  }
  func.func @transform_2(%arg0: i32) -> (i32, i32) {
    %c0_i32 = arith.constant 0 : i32
    %c0_i32_0 = arith.constant 0 : i32
    %c0_i32_1 = arith.constant 0 : i32
    return %c0_i32, %c0_i32_0 : i32, i32
  }
  func.func @transform_3(%arg0: i32) -> (i32, i32) {
    %c0_i32 = arith.constant 0 : i32
    %c0_i32_0 = arith.constant 0 : i32
    %c0_i32_1 = arith.constant 0 : i32
    return %c0_i32, %c0_i32_0 : i32, i32
  }
  func.func @transform_4(%arg0: i32) -> (i32, i32, i32) {
    %c0_i32 = arith.constant 0 : i32
    %c0_i32_0 = arith.constant 0 : i32
    %c0_i32_1 = arith.constant 0 : i32
    return %c0_i32, %arg0, %c0_i32_0 : i32, i32, i32
  }
  func.func @transform_5(%arg0: i32) -> (i32, i32, i32) {
    %c0_i32 = arith.constant 0 : i32
    %c0_i32_0 = arith.constant 0 : i32
    %c0_i32_1 = arith.constant 0 : i32
    return %c0_i32, %arg0, %c0_i32_0 : i32, i32, i32
  }
}

module attributes {stable_mosaic.version = 14 : i64} {
  func.func @_mid_body(%arg0: i32, %arg1: memref<2x640x64xf32, #tpu.memory_space<vmem>>, %arg2: memref<128x40xf32, #tpu.memory_space<vmem>>, %arg3: memref<128x40xf32, #tpu.memory_space<vmem>>, %arg4: memref<1x40xf32, #tpu.memory_space<vmem>>, %arg5: memref<2x640x40xf32, #tpu.memory_space<vmem>>, %arg6: memref<640x40xf32, #tpu.memory_space<vmem>>) attributes {dimension_semantics = [#tpu.dimension_semantics<arbitrary>], iteration_bounds = array<i64: 16>, scalar_prefetch = 0 : i64, scratch_operands = 0 : i64, tpu.core_type = #tpu.core_type<tc>, window_params = [{transform_indices = @transform_0, window_bounds = array<i64: 2, 640, 64>}, {pipeline_mode = #tpu.pipeline_mode<synchronous>, transform_indices = @transform_1, window_bounds = array<i64: 128, 40>}, {pipeline_mode = #tpu.pipeline_mode<synchronous>, transform_indices = @transform_2, window_bounds = array<i64: 128, 40>}, {pipeline_mode = #tpu.pipeline_mode<synchronous>, transform_indices = @transform_3, window_bounds = array<i64: 1, 40>}, {transform_indices = @transform_4, window_bounds = array<i64: 2, 640, 40>}, {transform_indices = @transform_5, window_bounds = array<i64: 640, 40>}]} {
    %get3A = arith.constant 0 : index
    %get3A_0 = arith.constant 0 : index
    %get3A_1 = arith.constant 0 : index
    %get3A_2 = vector.load %arg1[%get3A, %get3A_0, %get3A_1] : memref<2x640x64xf32, #tpu.memory_space<vmem>>, vector<1x640x64xf32>
    %get3A_3 = vector.shape_cast %get3A_2 : vector<1x640x64xf32> to vector<640x64xf32>
    %get3A_4 = arith.constant 1 : index
    %get3A_5 = arith.constant 0 : index
    %get3A_6 = arith.constant 0 : index
    %get3A_7 = vector.load %arg1[%get3A_4, %get3A_5, %get3A_6] : memref<2x640x64xf32, #tpu.memory_space<vmem>>, vector<1x640x64xf32>
    %get3A_8 = vector.shape_cast %get3A_7 : vector<1x640x64xf32> to vector<640x64xf32>
    %concatenate3A = tpu.concatenate %get3A_3, %get3A_8 in 1 : vector<640x64xf32>, vector<640x64xf32> -> vector<640x128xf32>
    %max3A = arith.constant 0.000000e+00 : f32
    %max3A_9 = vector.broadcast %max3A : f32 to vector<640x128xf32>
    %max3A_10 = arith.maximumf %concatenate3A, %max3A_9 : vector<640x128xf32>
    %get3A_11 = arith.constant 0 : index
    %get3A_12 = arith.constant 0 : index
    %get3A_13 = vector.load %arg2[%get3A_11, %get3A_12] : memref<128x40xf32, #tpu.memory_space<vmem>>, vector<128x40xf32>
    %dot_general3A = arith.constant dense<0.000000e+00> : vector<640x40xf32>
    %dot_general3A_14 = tpu.matmul %max3A_10, %get3A_13, %dot_general3A {dimension_numbers = #tpu.dot_dimension_numbers<[1], [0], [0], [1], [0, 0, 1, 1], [], []>, precision = #tpu.contract_precision<fp32>, transpose_lhs_hint = false} : vector<640x128xf32>, vector<128x40xf32>, vector<640x40xf32> -> vector<640x40xf32>
    %swap3A = arith.constant 0 : index
    %swap3A_15 = arith.constant 0 : index
    %swap3A_16 = arith.constant 0 : index
    %swap3A_17 = vector.load %arg5[%swap3A, %swap3A_15, %swap3A_16] : memref<2x640x40xf32, #tpu.memory_space<vmem>>, vector<1x640x40xf32>
    %swap3A_18 = vector.shape_cast %swap3A_17 : vector<1x640x40xf32> to vector<640x40xf32>
    %swap3A_19 = vector.shape_cast %dot_general3A_14 : vector<640x40xf32> to vector<1x640x40xf32>
    tpu.vector_store %arg5[%swap3A, %swap3A_15, %swap3A_16], %swap3A_19 {strides = array<i32>} : memref<2x640x40xf32, #tpu.memory_space<vmem>>, vector<1x640x40xf32>,
    %swap3A_20 = arith.constant 1 : index
    %swap3A_21 = arith.constant 0 : index
    %swap3A_22 = arith.constant 0 : index
    %swap3A_23 = vector.load %arg5[%swap3A_20, %swap3A_21, %swap3A_22] : memref<2x640x40xf32, #tpu.memory_space<vmem>>, vector<1x640x40xf32>
    %swap3A_24 = vector.shape_cast %swap3A_23 : vector<1x640x40xf32> to vector<640x40xf32>
    %swap3A_25 = vector.shape_cast %dot_general3A_14 : vector<640x40xf32> to vector<1x640x40xf32>
    tpu.vector_store %arg5[%swap3A_20, %swap3A_21, %swap3A_22], %swap3A_25 {strides = array<i32>} : memref<2x640x40xf32, #tpu.memory_space<vmem>>, vector<1x640x40xf32>,
    %get3A_26 = arith.constant 0 : index
    %get3A_27 = arith.constant 0 : index
    %get3A_28 = vector.load %arg3[%get3A_26, %get3A_27] : memref<128x40xf32, #tpu.memory_space<vmem>>, vector<128x40xf32>
    %dot_general3A_29 = arith.constant dense<0.000000e+00> : vector<640x40xf32>
    %dot_general3A_30 = tpu.matmul %max3A_10, %get3A_28, %dot_general3A_29 {dimension_numbers = #tpu.dot_dimension_numbers<[1], [0], [0], [1], [0, 0, 1, 1], [], []>, precision = #tpu.contract_precision<fp32>, transpose_lhs_hint = false} : vector<640x128xf32>, vector<128x40xf32>, vector<640x40xf32> -> vector<640x40xf32>
    %get3A_31 = arith.constant 0 : index
    %get3A_32 = arith.constant 0 : index
    %get3A_33 = vector.load %arg4[%get3A_31, %get3A_32] : memref<1x40xf32, #tpu.memory_space<vmem>>, vector<1x40xf32>
    %add3A = vector.broadcast %get3A_33 : vector<1x40xf32> to vector<640x40xf32>
    %add3A_34 = arith.addf %dot_general3A_30, %add3A : vector<640x40xf32>
    %mul3A = arith.constant 5.000000e-01 : f32
    %mul3A_35 = vector.broadcast %mul3A : f32 to vector<640x40xf32>
    %mul3A_36 = arith.mulf %mul3A_35, %add3A_34 : vector<640x40xf32>
    %swap3A_37 = arith.constant 0 : index
    %swap3A_38 = arith.constant 0 : index
    %swap3A_39 = vector.load %arg6[%swap3A_37, %swap3A_38] : memref<640x40xf32, #tpu.memory_space<vmem>>, vector<640x40xf32>
    tpu.vector_store %arg6[%swap3A_37, %swap3A_38], %mul3A_36 {strides = array<i32>} : memref<640x40xf32, #tpu.memory_space<vmem>>, vector<640x40xf32>,
    return
  }
  func.func @transform_0(%arg0: i32) -> (i32, i32, i32) {
    %c0_i32 = arith.constant 0 : i32
    %c0_i32_0 = arith.constant 0 : i32
    %c0_i32_1 = arith.constant 0 : i32
    return %c0_i32, %arg0, %c0_i32_0 : i32, i32, i32
  }
  func.func @transform_1(%arg0: i32) -> (i32, i32) {
    %c0_i32 = arith.constant 0 : i32
    %c0_i32_0 = arith.constant 0 : i32
    %c0_i32_1 = arith.constant 0 : i32
    return %c0_i32, %c0_i32_0 : i32, i32
  }
  func.func @transform_2(%arg0: i32) -> (i32, i32) {
    %c0_i32 = arith.constant 0 : i32
    %c0_i32_0 = arith.constant 0 : i32
    %c0_i32_1 = arith.constant 0 : i32
    return %c0_i32, %c0_i32_0 : i32, i32
  }
  func.func @transform_3(%arg0: i32) -> (i32, i32) {
    %c0_i32 = arith.constant 0 : i32
    %c0_i32_0 = arith.constant 0 : i32
    %c0_i32_1 = arith.constant 0 : i32
    return %c0_i32, %c0_i32_0 : i32, i32
  }
  func.func @transform_4(%arg0: i32) -> (i32, i32, i32) {
    %c0_i32 = arith.constant 0 : i32
    %c0_i32_0 = arith.constant 0 : i32
    %c0_i32_1 = arith.constant 0 : i32
    return %c0_i32, %arg0, %c0_i32_0 : i32, i32, i32
  }
  func.func @transform_5(%arg0: i32) -> (i32, i32) {
    %c0_i32 = arith.constant 0 : i32
    %c0_i32_0 = arith.constant 0 : i32
    return %arg0, %c0_i32 : i32, i32
  }
}

module attributes {stable_mosaic.version = 14 : i64} {
  func.func @_final_body(%arg0: i32, %arg1: memref<2x400x40xf32, #tpu.memory_space<vmem>>, %arg2: memref<400x40xf32, #tpu.memory_space<vmem>>) attributes {dimension_semantics = [#tpu.dimension_semantics<arbitrary>], iteration_bounds = array<i64: 25>, scalar_prefetch = 0 : i64, scratch_operands = 0 : i64, tpu.core_type = #tpu.core_type<tc>, window_params = [{transform_indices = @transform_0, window_bounds = array<i64: 2, 400, 40>}, {transform_indices = @transform_1, window_bounds = array<i64: 400, 40>}]} {
    %get3A = arith.constant 0 : index
    %get3A_0 = arith.constant 0 : index
    %get3A_1 = arith.constant 0 : index
    %get3A_2 = vector.load %arg1[%get3A, %get3A_0, %get3A_1] : memref<2x400x40xf32, #tpu.memory_space<vmem>>, vector<1x400x40xf32>
    %get3A_3 = vector.shape_cast %get3A_2 : vector<1x400x40xf32> to vector<400x40xf32>
    %get3A_4 = arith.constant 1 : index
    %get3A_5 = arith.constant 0 : index
    %get3A_6 = arith.constant 0 : index
    %get3A_7 = vector.load %arg1[%get3A_4, %get3A_5, %get3A_6] : memref<2x400x40xf32, #tpu.memory_space<vmem>>, vector<1x400x40xf32>
    %get3A_8 = vector.shape_cast %get3A_7 : vector<1x400x40xf32> to vector<400x40xf32>
    %add3A = arith.addf %get3A_3, %get3A_8 : vector<400x40xf32>
    %swap3A = arith.constant 0 : index
    %swap3A_9 = arith.constant 0 : index
    %swap3A_10 = vector.load %arg2[%swap3A, %swap3A_9] : memref<400x40xf32, #tpu.memory_space<vmem>>, vector<400x40xf32>
    tpu.vector_store %arg2[%swap3A, %swap3A_9], %add3A {strides = array<i32>} : memref<400x40xf32, #tpu.memory_space<vmem>>, vector<400x40xf32>,
    return
  }
  func.func @transform_0(%arg0: i32) -> (i32, i32, i32) {
    %c0_i32 = arith.constant 0 : i32
    %c0_i32_0 = arith.constant 0 : i32
    %c0_i32_1 = arith.constant 0 : i32
    return %c0_i32, %arg0, %c0_i32_0 : i32, i32, i32
  }
  func.func @transform_1(%arg0: i32) -> (i32, i32) {
    %c0_i32 = arith.constant 0 : i32
    %c0_i32_0 = arith.constant 0 : i32
    return %arg0, %c0_i32 : i32, i32
  }
}

</mosaic_0001>

<sc_bundles>
// kernel: kernel.10.cloned.1.call-start
scs
__scs_entry_jumppad:
0x0: {  	(pc) =	sbr.rel $0x88, $3  }
0x1: {  	(tag) =	ssettag $0x0;
	lr =	simm.s32 $0x1  }
0x2: {  	[smem:$0x3F99] =	sst lr;
	_ =	strace $0xD0000000  }
0x3: {  	_ = 	snop  }
0x4: {  	_ = 	snop  }
0x5: {  	_ = 	snop  }
0x6: {  	_ = 	snop  }
0x7: {  	_ = 	snop  }
__scs_overlays_trampoline_lowered:
0x8: {  	[smem:$0x3FA8] =	sst s0  }
0x9: {  	[smem:$0x3FA9] =	sst s1  }
0xa: {  	[smem:$0x3FAA] =	sst s2  }
0xb: {  	[smem:$0x3FAB] =	sst s3  }
0xc: {  	[smem:$0x3FAC] =	sst s4  }
0xd: {  	[smem:$0x3FAD] =	sst s5  }
0xe: {  	[smem:$0x3FAE] =	sst s6  }
0xf: {  	[smem:$0x3FAF] =	sst s7  }
0x10: {  	[smem:$0x3FB0] =	sst s8  }
0x11: {  	[smem:$0x3FB1] =	sst s9;
	s0 =	simm.s32 @!p0 $0x0  }
0x12: {  	s1 =	sld [smem:$0x3F97];
	s0 =	simm.s32 @p0 $0x1  }
0x13: {  	[smem:$0x3FB2] =	sst s0;
	s0 =	simm.s32 @!p1 $0x0  }
0x14: {  	s2 =	sld [smem:$0x3F96];
	s0 =	simm.s32 @p1 $0x1  }
0x15: {  	[smem:$0x3FB3] =	sst s0;
	s0 =	simm.s32 @!p2 $0x0  }
0x16: {  	s3 =	sld [smem:$0x3FDB];
	s0 =	simm.s32 @p2 $0x1  }
0x17: {  	s4 =	simm.s32 $0x1BF5;
	[smem:$0x3FB5] =	sst s0  }
0x18: {  	s0 =	sld [smem:$0x3F98];
	_ =	swait.ge [sflag:s4], $0x0  }
0x19: {  	s7 =	sld [smem:$0x3F99]  }
0x1a: {  	s8 =	sadd.s32 $0xFFFFE003, lr  }
0x1b: {  	s9 =	sadd.s32 $0xFFFFFEF7, lr;
	s5 =	simm.s32 $0xFFFFFFFF;
	p2 =	slt.u32 s8, $0xFFFFF086  }
0x1c: {  	p1 =	slt.u32 s9, $0xF7A;
	s5 =	simm.s32 @!p2 $0x0  }
0x1d: {  	s5 =	simm.s32 @p1 $0x1;
	p0 =	seq.s32 s7, s2  }
0x1e: {  	s7 =	smul.u32 @!p0 $0xF7A, s2;
	p2 =	seq.s32 @!p0 s5, $0x0  }
0x1f: {  	s9 =	smul.u32 $0xF7A, s1;
	s8 =	simm.s32 @!p0 $0x1BF5;
	p2 =	por !p2, p0  }
0x20: {  	[sflag:s8] =	ssyncset.s32 @!p0 $0xFFFFF086;
	s6 =	sadd.s32 @!p0 s3, s7;
	s7 =	simm.s32 @!p0 $0x108  }
0x21: {  	s3 =	sadd.s32 s3, s9;
	s6 =	sadd.s32 @!p0 $0x88, s6;
	s7 =	simm.s32 @p2 $0x1082  }
0x22: {  	[simem:s7], [sflag:s8] =	dma.local @!p0 [hbm:s6], $0xF7A  }
0x23: {  	s9 =	sor.u32 $0xD0000000, s2;
	s6 =	simm.s32 $0x108;
	_ =	swait.ge @!p0 [sflag:s8], $0x0  }
0x24: {  	s3 =	sadd.s32 $0x88, s3;
	s6 =	simm.s32 @!p1 $0x1082;
	[sflag:s4] =	ssyncset.s32 $0xFFFFF086  }
0x25: {  	[simem:s6], [sflag:s4] =	dma.local [hbm:s3], $0xF7A  }
0x26: {  	[smem:$0x3F99] =	sst s1;
	(tag) =	ssettag s2;
	_ =	strace s9  }
0x27: {  	s1 =	sld [smem:$0x3FA9]  }
0x28: {  	s2 =	sld [smem:$0x3FAA]  }
0x29: {  	s4 =	sld [smem:$0x3FAC]  }
0x2a: {  	p0 =	seq.s32 s5, $0x0;
	s5 =	sld [smem:$0x3FAD]  }
0x2b: {  	s6 =	sld [smem:$0x3FAE]  }
0x2c: {  	s7 =	sld [smem:$0x3FAF]  }
0x2d: {  	s3 =	simm.s32 $0x108;
	s8 =	sld [smem:$0x3FB0]  }
0x2e: {  	s3 =	simm.s32 @!p0 $0x1082;
	s9 =	sld [smem:$0x3FB1]  }
0x2f: {  	lr =	sadd.s32 s0, s3;
	s0 =	sld [smem:$0x3FA8]  }
0x30: {  	s3 =	sld [smem:$0x3FAB]  }
0x31: {  	[smem:$0x3FB4] =	sst s10  }
0x32: {  	s10 =	sld [smem:$0x3FB2];
	_ =	sdelay $0x3  }
0x33: {  	p0 =	seq.s32 s10, $0x1;
	s10 =	sld [smem:$0x3FB4];
	_ =	sdelay $0x3  }
0x34: {  	[smem:$0x3FB4] =	sst s10  }
0x35: {  	s10 =	sld [smem:$0x3FB3];
	_ =	sdelay $0x3  }
0x36: {  	p1 =	seq.s32 s10, $0x1;
	s10 =	sld [smem:$0x3FB4];
	_ =	sdelay $0x3  }
0x37: {  	[smem:$0x3FB4] =	sst s10  }
0x38: {  	s10 =	sld [smem:$0x3FB5]  }
0x39: {  	_ = 	snop;
	(pc) =	sbr.ind lr, $3  }
0x3a: {  	_ = 	snop  }
0x3b: {  	_ = 	snop  }
0x3c: {  	p2 =	seq.s32 s10, $0x1;
	s10 =	sld [smem:$0x3FB4]  }
0x3d: {  	_ =	shalt  }
0x3e: {  	_ =	shalt  }
0x3f: {  	_ =	shalt  }
0x40: {  	_ =	shalt  }
0x41: {  	_ =	shalt  }
0x42: {  	_ =	shalt  }
0x43: {  	_ =	shalt  }
0x44: {  	_ =	shalt  }
0x45: {  	_ =	shalt  }
0x46: {  	_ =	shalt  }
0x47: {  	_ =	shalt  }
0x48: {  	_ =	shalt  }
0x49: {  	_ =	shalt  }
0x4a: {  	_ =	shalt  }
0x4b: {  	_ =	shalt  }
0x4c: {  	_ =	shalt  }
0x4d: {  	_ =	shalt  }
0x4e: {  	_ =	shalt  }
0x4f: {  	_ =	shalt  }
0x50: {  	_ =	shalt  }
0x51: {  	_ =	shalt  }
0x52: {  	_ =	shalt  }
0x53: {  	_ =	shalt  }
0x54: {  	_ =	shalt  }
0x55: {  	_ =	shalt  }
0x56: {  	_ =	shalt  }
0x57: {  	_ =	shalt  }
0x58: {  	_ =	shalt  }
0x59: {  	_ =	shalt  }
0x5a: {  	_ =	shalt  }
0x5b: {  	_ =	shalt  }
0x5c: {  	_ =	shalt  }
0x5d: {  	_ =	shalt  }
0x5e: {  	_ =	shalt  }
0x5f: {  	_ =	shalt  }
0x60: {  	_ =	shalt  }
0x61: {  	_ =	shalt  }
0x62: {  	_ =	shalt  }
0x63: {  	_ =	shalt  }
0x64: {  	_ =	shalt  }
0x65: {  	_ =	shalt  }
0x66: {  	_ =	shalt  }
0x67: {  	_ =	shalt  }
0x68: {  	_ =	shalt  }
0x69: {  	_ =	shalt  }
0x6a: {  	_ =	shalt  }
0x6b: {  	_ =	shalt  }
0x6c: {  	_ =	shalt  }
0x6d: {  	_ =	shalt  }
0x6e: {  	_ =	shalt  }
0x6f: {  	_ =	shalt  }
0x70: {  	_ =	shalt  }
0x71: {  	_ =	shalt  }
0x72: {  	_ =	shalt  }
0x73: {  	_ =	shalt  }
0x74: {  	_ =	shalt  }
0x75: {  	_ =	shalt  }
0x76: {  	_ =	shalt  }
0x77: {  	_ =	shalt  }
0x78: {  	_ =	shalt  }
0x79: {  	_ =	shalt  }
0x7a: {  	_ =	shalt  }
0x7b: {  	_ =	shalt  }
0x7c: {  	_ =	shalt  }
0x7d: {  	_ =	shalt  }
0x7e: {  	_ =	shalt  }
0x7f: {  	_ =	shalt  }
0x80: {  	_ =	shalt  }
0x81: {  	_ =	shalt  }
0x82: {  	_ =	shalt  }
0x83: {  	_ =	shalt  }
0x84: {  	_ =	shalt  }
0x85: {  	_ =	shalt  }
0x86: {  	_ =	shalt  }
0x87: {  	_ =	shalt  }
.Lfunc_end0:
.L_simem_size_0:
called_computation.1_lowered:
.L_overlay_start_0:
0x88: {  	s2 =	sld [smem:$0x3FD9]  }
0x89: {  	s3 =	sld [smem:$0x3FFE];
	_ =	sdelay $0x1  }
0x8a: {  	s1 =	srdreg.scid  }
0x8b: {  	s0 =	sand.u32 $0x1, s1  }
0x8c: {  	s17 =	sshll.u32 s0, $0xA;
	s2 =	sadd.s32 s3, s2  }
0x8d: {  	s2 =	sadd.s32 s2, s17  }
0x8e: {  	[smem:$0x3FC0] =	sst s2  }
0x8f: {  	_ = 	snop  }
0x90: {  	s2 =	sld [smem:$0x3FD0];
	(tm) =	ssettm $0x1  }
0x91: {  	s18 =	sld [smem:$0x3FFB];
	_ =	sdelay $0x3  }
0x92: {  	_ =	strace s18  }
0x93: {  	s3 =	sld [smem:$0x3FFC];
	_ =	sdelay $0x3  }
0x94: {  	_ =	strace s3  }
0x95: {  	s3 =	sld [smem:$0x3FFD];
	_ =	sdelay $0x3  }
0x96: {  	_ =	strace s3  }
0x97: {  	_ =	strace $0x8FFFFFFF  }
0x98: {  	s19 =	sld [smem:$0x3FDB];
	_ =	sdelay $0x1  }
0x99: {  	s4 =	simm.s32 $_scs_section_size  }
0x9a: {  	s5 =	simm.s32 $_size__tile_overlayer_lowered;
	s6 =	simm.s32 $_tile_overlayer_lowered  }
0x9b: {  	s22 =	simm.s32 $0x1BFF;
	s21 =	sshll.u32 s6, $0x1;
	s3 =	sadd.s32 s4, s19  }
0x9c: {  	s7 =	simm.s32 $0x0;
	s20 =	sshll.u32 s5, $0x1;
	s5 =	sadd.s32 s21, s3  }
0x9d: {  	[timem:s7], [sflag:s22] =	dma.local [hbm:s5], s20  }
0x9e: {  	_ =	swait.ge [sflag:s22], s20  }
0x9f: {  	s4 =	ssub.s32 $0x0, s20;
	[sflag:s22] =	ssyncset.done $0x0  }
0xa0: {  	[sflag:s22] =	ssyncadd.s32 s4;
	_ =	sdelay $0x1  }
0xa1: {  	s23 =	simm.s32 $0x1B8B  }
0xa2: {  	_ =	swait.ge [sflag:s23], $0x1  }
0xa3: {  	[sflag:s23] =	ssyncset.done $0x0  }
0xa4: {  	s25 =	simm.s32 $0x1B8E;
	s24 =	sld [smem:$0x3FFE];
	[sflag:s23] =	ssyncadd.s32 $0xFFFFFFFF  }
0xa5: {  	s26 =	simm.s32 $execute0_lowered;
	[smem:$0x3FD2] =	sst s25  }
0xa6: {  	s5 =	sshll.u32 s26, $0x1;
	_ =	strace $0x80000049;
	[dreg:$0x1] =	wrdreg $0xFFFFFFFF  }
0xa7: {  	s28 =	simm.s32 $_size_execute0_lowered;
	s3 =	sadd.s32 s3, s5;
	[dreg:$0x0] =	wrdreg $0x0  }
0xa8: {  	s5 =	sshll.u32 s28, $0x1;
	[dreg:$0x2] =	wrdreg s3  }
0xa9: {  	[dreg:$0x3] =	wrdreg s5  }
0xaa: {  	[dreg:$0x4] =	wrdreg $0xC0  }
0xab: {  	_ =	task [dreg:s7], $0x5FFFF  }
0xac: {  	[dreg:$0x1] =	wrdreg $0xFFFFFFFF  }
0xad: {  	[dreg:$0x0] =	wrdreg $0x60  }
0xae: {  	[dreg:$0x2] =	wrdreg s24  }
0xaf: {  	[dreg:$0x3] =	wrdreg s2  }
0xb0: {  	[dreg:$0x4] =	wrdreg $0x77000  }
0xb1: {  	[dreg:$0x5] =	wrdreg $0x9  }
0xb2: {  	_ =	task.clear_ibuf [dreg:s7], $0x6FFFF;
	_ =	strace $0x90000049  }
0xb3: {  	s29 =	simm.s32 $0x9;
	_ =	strace $0x8000004B  }
0xb4: {  	_ =	swait.ge [sflag:s29], $0x1  }
0xb5: {  	[sflag:s29] =	ssyncadd.s32 $0xFFFFFFFF  }
0xb6: {  	_ =	strace $0x9000004B  }
0xb7: {  	_ =	sfence  }
0xb8: {  	s30 =	sld [smem:$0x0];
	_ =	sdelay $0x2  }
0xb9: {  	s31 =	sshll.u32 s1, $0xD;
	s1 =	sshrl.u32 s1, $0x2  }
0xba: {  	s3 =	sand.u32 $0x4000, s31;
	s1 =	sadd.s32 s1, s30  }
0xbb: {  	s0 =	sor.u32 s3, s0;
	s1 =	sshll.u32 s1, $0x11  }
0xbc: {  	s0 =	sor.u32 s1, s0  }
0xbd: {  	s0 =	sadd.s32 $0x8F2B, s0  }
0xbe: {  	[sflag:s0] =	ssyncadd.remote.s32 $0x1  }
0xbf: {  	_ =	sfence.sel $0xFFFF  }
0xc0: {  	[dreg:$0x0] =	wrdreg $0xFFFFFFFF;
	(pc) =	sbr.abs _section_cstart, $3  }
0xc1: {  	[dreg:$0x1] =	wrdreg $0xFFFFFFFF  }
0xc2: {  	_ =	task.clear_ibuf [dreg:s7], $0x2FFFF;
	_ =	strace $0x9FFFFFFF  }
0xc3: {  	(tm) =	ssettm $0x7FFFFFFF  }
tec
execute0_lowered:
.L_overlay_start_1:
0x0: {  	(tag) =	ssettag $0x1  }
0x1: {  	s5 =	rddreg [dreg:$0x0]  }
0x2: {  	s9 =	rddreg [dreg:$0x1]  }
0x3: {  	s2 =	rddreg [dreg:$0x2]  }
0x4: {  	s0 =	rddreg [dreg:$0x3];
	s3 =	simm.s32 $0x0  }
0x5: {  	s1 =	stileid.u32;
	s4 =	srdreg.scid;
	s18 =	simm.s32 $0x6300  }
0x6: {  	s19 =	simm.s32 $0x1;
	s20 =	simm.s32 $0x2;
	s21 =	simm.s32 $0x0  }
0x7: {  	[smem:$0x7FF] =	sst s3;
	s6 =	smul.u32 $0x6400, s1;
	s7 =	sand.u32 $0x1, s4  }
0x8: {  	s4 =	sadd.s32 $0x15200, s5;
	s14 =	sadd.s32 $0x1600, s5;
	s28 =	sshll.u32 s1, $0x6  }
0x9: {  	s17 =	smul.u32 $0x4E0, s1;
	s29 =	sshll.u32 s1, $0x4;
	_ =	strace $0x8000004A  }
0xa: {  	s10 =	sshll.u32 s7, $0x4;
	s11 =	smul.u32 $0x64000, s7;
	s12 =	ssub.s32 $0x2, s7  }
0xb: {  	p0 =	seq.s32 s7, $0x0;
	s30 =	sadd.s32 s29, s14;
	s31 =	sadd.s32 s29, s9  }
0xc: {  	s8 =	sshrl.u32 s6, $0x3;
	s13 =	sor.u32 s1, s10;
	s15 =	sshrl.u32 s12, $0x1  }
0xd: {  	s26 =	sadd.s32 s6, s2;
	s8 =	sadd.s32 s8, s5;
	s10 =	smul.u32 $0x4E0, s13  }
0xe: {  	s11 =	sadd.s32 s6, s11;
	s12 =	ssub.s32 s12, s15;
	s6 =	sor.u32 $0x1C03, s28  }
0xf: {  	s15 =	simm.s32 $0x2780;
	s11 =	sshrl.u32 s11, $0x3;
	s12 =	smax.u32 s12, $0x1  }
0x10: {  	s16 =	sadd.s32 s10, s5;
	s11 =	sadd.s32 s11, s5;
	s5 =	sadd.s32 $0x2E200, s8  }
0x11: {  	s8 =	sadd.s32 s9, s10;
	s9 =	sadd.s32 $0x9C00, s30;
	s10 =	sadd.s32 $0x9C00, s31  }
0x12: {  	s7 =	sadd.s32 $0xB400, s16;
	s16 =	sadd.s32 s14, s17;
	s11 =	sadd.s32 $0x3AA00, s11  }
0x13: {  	s14 =	simm.s32 $0x3;
	s17 =	simm.s32 $0x4F00;
	s7 =	smov.u32 @p0 s16  }
0x14: {  	p0 =	sgt.u32 s13, $0x3;
	s13 =	sshrl.u32 s26, $0x3;
	s16 =	simm.s32 $0x80  }
.LBB2_1:
0x15: {  	[spmem:s13], [sflag:s6] =	dma.local [hbm:s5], $0xC80  }
0x16: {  	_ =	swait.ge [sflag:s14], $0xC80  }
0x17: {  	[sflag:s14] =	ssyncset.done $0x0  }
0x18: {  	[sflag:s14] =	ssyncadd.s32 $0xFFFFF380  }
0x19: {  	[tilespmem:s3], [sflag:$0x3] =	stream.linear.gather [hbm4b:s7+s3], $0x2700, $0x38;
	[tilespmem:$0xDB00] =	vst v63  }
0x1a: {  	_ =	swait.ge [sflag:s14], $0x2700  }
0x1b: {  	[sflag:s14] =	ssyncset.done $0x0  }
0x1c: {  	[sflag:s14] =	ssyncadd.s32 $0xFFFFD900  }
0x1d: {  	[tilespmem:s15], [sflag:$0x3] =	stream.linear.gather [hbm4b:s8+s3], $0x2700, $0x38;
	[tilespmem:$0xDB00] =	vst v63  }
0x1e: {  	_ =	swait.ge [sflag:s14], $0x2700  }
0x1f: {  	[sflag:s14] =	ssyncset.done $0x0  }
0x20: {  	s22 =	simm.s32 @!p0 $0x0;
	s23 =	simm.s32 @!p0 $0x2700;
	[sflag:s14] =	ssyncadd.s32 $0xFFFFD900  }
0x21: {  	[tilespmem:s23], [sflag:$0x3] =	stream.linear.gather @!p0 [hbm4b:s9+s22], $0x80, $0x38;
	[tilespmem:$0xDB00] =	vst v63  }
0x22: {  	s23 =	simm.s32 @!p0 $0x3  }
0x23: {  	_ =	swait.ge @!p0 [sflag:s23], $0x80  }
0x24: {  	[sflag:s23] =	ssyncset.done @!p0 $0x0  }
0x25: {  	s24 =	simm.s32 @!p0 $0x4E80;
	[sflag:s23] =	ssyncadd.s32 @!p0 $0xFFFFFF80  }
0x26: {  	[tilespmem:s24], [sflag:$0x3] =	stream.linear.gather @!p0 [hbm4b:s10+s22], $0x80, $0x38;
	[tilespmem:$0xDB00] =	vst v63  }
0x27: {  	_ =	swait.ge @!p0 [sflag:s23], $0x80  }
0x28: {  	[sflag:s23] =	ssyncset.done @!p0 $0x0  }
0x29: {  	[sflag:s23] =	ssyncadd.s32 @!p0 $0xFFFFFF80  }
0x2a: {  	s28 =	simm.s32 $0x0;
	[bflag:$0x0] =	sbarrier.arrive $0xFFFF  }
0x2b: {  	[tilespmem:s17], [sflag:$0x1] =	stream.indirect.gather [hbm4b:s4+s16], $0x28, s28, s16, $0xb8;
	[tilespmem:$0xDB00] =	vst v63  }
0x2c: {  	s29 =	simm.s32 $0x80  }
0x2d: {  	[tilespmem:s18], [sflag:$0x2] =	stream.indirect.gather [hbm4b:s4+s16], $0x28, s29, s16, $0xb8;
	[tilespmem:$0xDB00] =	vst v63  }
0x2e: {  	_ =	swait.ge [sflag:s19], $0x1400  }
0x2f: {  	[sflag:s19] =	ssyncset.done $0x0  }
0x30: {  	s30 =	simm.s32 $0x2780;
	[sflag:s19] =	ssyncadd.s32 $0xFFFFEC00  }
0x31: {  	[spmem:s2] =	stream.indirect.scatter.add.f32 [tilespmem:s17], [sflag:$0x3], $0x28, s30, s16, $0xb8;
	[tilespmem:$0xDB00] =	vst v63  }
0x32: {  	_ =	swait.ge [sflag:s14], $0x1400  }
0x33: {  	[sflag:s14] =	ssyncset.done $0x0  }
0x34: {  	[sflag:s14] =	ssyncadd.s32 $0xFFFFEC00  }
0x35: {  	_ =	swait.ge [sflag:s20], $0x1400  }
0x36: {  	[sflag:s20] =	ssyncset.done $0x0  }
0x37: {  	s31 =	simm.s32 $0x2800;
	[sflag:s20] =	ssyncadd.s32 $0xFFFFEC00  }
0x38: {  	[spmem:s2] =	stream.indirect.scatter.add.f32 [tilespmem:s18], [sflag:$0x3], $0x28, s31, s16, $0xb8;
	[tilespmem:$0xDB00] =	vst v63  }
0x39: {  	_ =	swait.ge [sflag:s14], $0x1400  }
0x3a: {  	s22 =	simm.s32 $0x400;
	s23 =	simm.s32 $0x800;
	[sflag:s14] =	ssyncset.done $0x0  }
.LBB2_2:
0x3b: {  	s24 =	sshra.s32 s22, $0x2  }
0x3c: {  	[sflag:s14] =	ssyncadd.s32 $0xFFFFEC00;
	s22 =	smov.u32 s23;
	s25 =	sadd.s32 $0x400, s23  }
0x3d: {  	[tilespmem:s17], [sflag:$0x1] =	stream.indirect.gather [hbm4b:s4+s16], $0x28, s24, s16, $0xb8;
	[tilespmem:$0xDB00] =	vst v63  }
0x3e: {  	p1 =	sne.s32 s23, $0x9800;
	s23 =	sadd.s32 $0x80, s24  }
0x3f: {  	[tilespmem:s18], [sflag:$0x2] =	stream.indirect.gather [hbm4b:s4+s16], $0x28, s23, s16, $0xb8;
	[tilespmem:$0xDB00] =	vst v63  }
0x40: {  	_ =	swait.ge [sflag:s19], $0x1400  }
0x41: {  	[sflag:s19] =	ssyncset.done $0x0  }
0x42: {  	s23 =	sadd.s32 $0x2780, s24;
	[sflag:s19] =	ssyncadd.s32 $0xFFFFEC00  }
0x43: {  	[spmem:s2] =	stream.indirect.scatter.add.f32 [tilespmem:s17], [sflag:$0x3], $0x28, s23, s16, $0xb8;
	[tilespmem:$0xDB00] =	vst v63  }
0x44: {  	_ =	swait.ge [sflag:s14], $0x1400  }
0x45: {  	[sflag:s14] =	ssyncset.done $0x0  }
0x46: {  	[sflag:s14] =	ssyncadd.s32 $0xFFFFEC00  }
0x47: {  	_ =	swait.ge [sflag:s20], $0x1400  }
.Ltmp0:
0x48: {  	[sflag:s20] =	ssyncset.done $0x0;
	(pc) =	sbr.rel @p1 .LBB2_2-.Ltmp0, $4  }
0x49: {  	s23 =	sadd.s32 $0x2800, s24;
	[sflag:s20] =	ssyncadd.s32 $0xFFFFEC00  }
0x4a: {  	[spmem:s2] =	stream.indirect.scatter.add.f32 [tilespmem:s18], [sflag:$0x3], $0x28, s23, s16, $0xb8;
	[tilespmem:$0xDB00] =	vst v63  }
0x4b: {  	_ =	swait.ge [sflag:s14], $0x1400  }
0x4c: {  	s23 =	smov.u32 s25;
	[sflag:s14] =	ssyncset.done $0x0  }
0x4d: {  	s22 =	sshra.s32 s22, $0x2;
	[sflag:s14] =	ssyncadd.s32 $0xFFFFEC00  }
0x4e: {  	[tilespmem:s17], [sflag:$0x1] =	stream.indirect.gather [hbm4b:s4+s16], $0x28, s22, s16, $0xb8;
	[tilespmem:$0xDB00] =	vst v63  }
0x4f: {  	s23 =	sadd.s32 $0x80, s22  }
0x50: {  	[tilespmem:s18], [sflag:$0x2] =	stream.indirect.gather [hbm4b:s4+s16], $0x28, s23, s16, $0xb8;
	[tilespmem:$0xDB00] =	vst v63  }
0x51: {  	_ =	swait.ge [sflag:s19], $0x1400  }
0x52: {  	[sflag:s19] =	ssyncset.done $0x0  }
0x53: {  	s31 =	sadd.s32 $0x2780, s22;
	[sflag:s19] =	ssyncadd.s32 $0xFFFFEC00  }
0x54: {  	[spmem:s2] =	stream.indirect.scatter.add.f32 [tilespmem:s17], [sflag:$0x3], $0x28, s31, s16, $0xb8;
	[tilespmem:$0xDB00] =	vst v63  }
0x55: {  	_ =	swait.ge [sflag:s14], $0x1400  }
0x56: {  	[sflag:s14] =	ssyncset.done $0x0  }
0x57: {  	[sflag:s14] =	ssyncadd.s32 $0xFFFFEC00  }
0x58: {  	_ =	swait.ge [sflag:s20], $0x1400  }
0x59: {  	[sflag:s20] =	ssyncset.done $0x0  }
0x5a: {  	s22 =	sadd.s32 $0x2800, s22;
	[sflag:s20] =	ssyncadd.s32 $0xFFFFEC00  }
0x5b: {  	[spmem:s2] =	stream.indirect.scatter.add.f32 [tilespmem:s18], [sflag:$0x3], $0x28, s22, s16, $0xb8;
	[tilespmem:$0xDB00] =	vst v63  }
0x5c: {  	_ =	swait.ge [sflag:s14], $0x1400  }
0x5d: {  	s24 =	simm.s32 @!p0 $0x4F00;
	[sflag:s14] =	ssyncset.done $0x0  }
0x5e: {  	s23 =	simm.s32 @!p0 $0x2700;
	s22 =	simm.s32 @!p0 $0x80;
	[sflag:s14] =	ssyncadd.s32 $0xFFFFEC00  }
0x5f: {  	[tilespmem:s24], [sflag:$0x1] =	stream.indirect.gather @!p0 [hbm4b:s4+s22], $0x28, s23, s22, $0xb8;
	[tilespmem:$0xDB00] =	vst v63  }
0x60: {  	s23 =	simm.s32 @!p0 $0x1  }
0x61: {  	_ =	swait.ge @!p0 [sflag:s23], $0x1400  }
0x62: {  	[sflag:s23] =	ssyncset.done @!p0 $0x0  }
0x63: {  	[sflag:s23] =	ssyncadd.s32 @!p0 $0xFFFFEC00;
	s23 =	simm.s32 @!p0 $0x4E80  }
0x64: {  	[spmem:s2] =	stream.indirect.scatter.add.f32 @!p0 [tilespmem:s24], [sflag:$0x3], $0x28, s23, s22, $0xb8;
	[tilespmem:$0xDB00] =	vst v63  }
0x65: {  	s22 =	simm.s32 @!p0 $0x3  }
0x66: {  	_ =	swait.ge @!p0 [sflag:s22], $0x1400  }
0x67: {  	s21 =	sadd.s32 $0x1, s21;
	[sflag:s22] =	ssyncset.done @!p0 $0x0  }
0x68: {  	p1 =	sne.s32 s21, s12;
	[sflag:s22] =	ssyncadd.s32 @!p0 $0xFFFFEC00  }
.Ltmp1:
0x69: {  	[bflag:$0x0] =	sbarrier.arrive $0xFFFF;
	(pc) =	sbr.rel @p1 .LBB2_1-.Ltmp1, $4  }
0x6a: {  	[hbm:s11], [sflag:s6] =	dma.local [spmem:s13], $0xC80  }
0x6b: {  	_ =	swait.ge [sflag:s14], $0xC80  }
0x6c: {  	[sflag:s14] =	ssyncset.done $0x0  }
0x6d: {  	[sflag:s14] =	ssyncadd.s32 $0xFFFFF380  }
0x6e: {  	_ =	sfence.sel $0x180000  }
0x6f: {  	[bflag:$0x0] =	sbarrier.arrive $0xFFFF  }
0x70: {  	p0 =	sne.s32 s1, $0x0;
	_ =	strace $0x9000004A  }
0x71: {  	s0 =	sadd.s32 @!p0 $0x100000, s0;
	[bflag:$0x2] =	sbarrier.arrive $0xFFFF  }
0x72: {  	[sflag:s0] =	ssyncadd.tile.s32 @!p0 $0x1;
	_ =	shalt  }
.Lfunc_end2:
_tile_overlayer_lowered:
.L_overlay_start_2:
0x73: {  	(tag) =	ssettag $0x2  }
0x74: {  	s0 =	rddreg [dreg:$0x0];
	s2 =	stileid.u32  }
0x75: {  	s1 =	rddreg [dreg:$0x1];
	p0 =	sne.s32 s2, $0x0  }
0x76: {  	s3 =	rddreg [dreg:$0x2];
	[bflag:$0x3] =	sbarrier.arrive $0xFFFF;
	s2 =	simm.s32 @!p0 $0x1C03  }
0x77: {  	[timem:s3], [sflag:s2] =	dma.local @!p0 [hbm:s0], s1  }
0x78: {  	s0 =	simm.s32 @!p0 $0x3  }
0x79: {  	_ =	swait.ge @!p0 [sflag:s0], s1  }
0x7a: {  	s1 =	ssub.s32 @!p0 $0x0, s1;
	[sflag:s0] =	ssyncset.done @!p0 $0x0  }
0x7b: {  	[sflag:s0] =	ssyncadd.s32 @!p0 s1  }
0x7c: {  	[bflag:$0x3] =	sbarrier.arrive $0xFFFF  }
0x7d: {  	_ =	shalt  }

// kernel: kernel.7.cloned.1.call-start
scs
__scs_entry_jumppad:
0x0: {  	(pc) =	sbr.rel $0x88, $3  }
0x1: {  	(tag) =	ssettag $0x0;
	lr =	simm.s32 $0x1  }
0x2: {  	[smem:$0x3F99] =	sst lr;
	_ =	strace $0xD0000000  }
0x3: {  	_ = 	snop  }
0x4: {  	_ = 	snop  }
0x5: {  	_ = 	snop  }
0x6: {  	_ = 	snop  }
0x7: {  	_ = 	snop  }
__scs_overlays_trampoline_lowered:
0x8: {  	[smem:$0x3FA8] =	sst s0  }
0x9: {  	[smem:$0x3FA9] =	sst s1  }
0xa: {  	[smem:$0x3FAA] =	sst s2  }
0xb: {  	[smem:$0x3FAB] =	sst s3  }
0xc: {  	[smem:$0x3FAC] =	sst s4  }
0xd: {  	[smem:$0x3FAD] =	sst s5  }
0xe: {  	[smem:$0x3FAE] =	sst s6  }
0xf: {  	[smem:$0x3FAF] =	sst s7  }
0x10: {  	[smem:$0x3FB0] =	sst s8  }
0x11: {  	[smem:$0x3FB1] =	sst s9;
	s0 =	simm.s32 @!p0 $0x0  }
0x12: {  	s1 =	sld [smem:$0x3F97];
	s0 =	simm.s32 @p0 $0x1  }
0x13: {  	[smem:$0x3FB2] =	sst s0;
	s0 =	simm.s32 @!p1 $0x0  }
0x14: {  	s2 =	sld [smem:$0x3F96];
	s0 =	simm.s32 @p1 $0x1  }
0x15: {  	[smem:$0x3FB3] =	sst s0;
	s0 =	simm.s32 @!p2 $0x0  }
0x16: {  	s3 =	sld [smem:$0x3FDB];
	s0 =	simm.s32 @p2 $0x1  }
0x17: {  	s4 =	simm.s32 $0x1BF5;
	[smem:$0x3FB5] =	sst s0  }
0x18: {  	s0 =	sld [smem:$0x3F98];
	_ =	swait.ge [sflag:s4], $0x0  }
0x19: {  	s7 =	sld [smem:$0x3F99]  }
0x1a: {  	s8 =	sadd.s32 $0xFFFFE003, lr  }
0x1b: {  	s9 =	sadd.s32 $0xFFFFFEF7, lr;
	s5 =	simm.s32 $0xFFFFFFFF;
	p2 =	slt.u32 s8, $0xFFFFF086  }
0x1c: {  	p1 =	slt.u32 s9, $0xF7A;
	s5 =	simm.s32 @!p2 $0x0  }
0x1d: {  	s5 =	simm.s32 @p1 $0x1;
	p0 =	seq.s32 s7, s2  }
0x1e: {  	s7 =	smul.u32 @!p0 $0xF7A, s2;
	p2 =	seq.s32 @!p0 s5, $0x0  }
0x1f: {  	s9 =	smul.u32 $0xF7A, s1;
	s8 =	simm.s32 @!p0 $0x1BF5;
	p2 =	por !p2, p0  }
0x20: {  	[sflag:s8] =	ssyncset.s32 @!p0 $0xFFFFF086;
	s6 =	sadd.s32 @!p0 s3, s7;
	s7 =	simm.s32 @!p0 $0x108  }
0x21: {  	s3 =	sadd.s32 s3, s9;
	s6 =	sadd.s32 @!p0 $0x88, s6;
	s7 =	simm.s32 @p2 $0x1082  }
0x22: {  	[simem:s7], [sflag:s8] =	dma.local @!p0 [hbm:s6], $0xF7A  }
0x23: {  	s9 =	sor.u32 $0xD0000000, s2;
	s6 =	simm.s32 $0x108;
	_ =	swait.ge @!p0 [sflag:s8], $0x0  }
0x24: {  	s3 =	sadd.s32 $0x88, s3;
	s6 =	simm.s32 @!p1 $0x1082;
	[sflag:s4] =	ssyncset.s32 $0xFFFFF086  }
0x25: {  	[simem:s6], [sflag:s4] =	dma.local [hbm:s3], $0xF7A  }
0x26: {  	[smem:$0x3F99] =	sst s1;
	(tag) =	ssettag s2;
	_ =	strace s9  }
0x27: {  	s1 =	sld [smem:$0x3FA9]  }
0x28: {  	s2 =	sld [smem:$0x3FAA]  }
0x29: {  	s4 =	sld [smem:$0x3FAC]  }
0x2a: {  	p0 =	seq.s32 s5, $0x0;
	s5 =	sld [smem:$0x3FAD]  }
0x2b: {  	s6 =	sld [smem:$0x3FAE]  }
0x2c: {  	s7 =	sld [smem:$0x3FAF]  }
0x2d: {  	s3 =	simm.s32 $0x108;
	s8 =	sld [smem:$0x3FB0]  }
0x2e: {  	s3 =	simm.s32 @!p0 $0x1082;
	s9 =	sld [smem:$0x3FB1]  }
0x2f: {  	lr =	sadd.s32 s0, s3;
	s0 =	sld [smem:$0x3FA8]  }
0x30: {  	s3 =	sld [smem:$0x3FAB]  }
0x31: {  	[smem:$0x3FB4] =	sst s10  }
0x32: {  	s10 =	sld [smem:$0x3FB2];
	_ =	sdelay $0x3  }
0x33: {  	p0 =	seq.s32 s10, $0x1;
	s10 =	sld [smem:$0x3FB4];
	_ =	sdelay $0x3  }
0x34: {  	[smem:$0x3FB4] =	sst s10  }
0x35: {  	s10 =	sld [smem:$0x3FB3];
	_ =	sdelay $0x3  }
0x36: {  	p1 =	seq.s32 s10, $0x1;
	s10 =	sld [smem:$0x3FB4];
	_ =	sdelay $0x3  }
0x37: {  	[smem:$0x3FB4] =	sst s10  }
0x38: {  	s10 =	sld [smem:$0x3FB5]  }
0x39: {  	_ = 	snop;
	(pc) =	sbr.ind lr, $3  }
0x3a: {  	_ = 	snop  }
0x3b: {  	_ = 	snop  }
0x3c: {  	p2 =	seq.s32 s10, $0x1;
	s10 =	sld [smem:$0x3FB4]  }
0x3d: {  	_ =	shalt  }
0x3e: {  	_ =	shalt  }
0x3f: {  	_ =	shalt  }
0x40: {  	_ =	shalt  }
0x41: {  	_ =	shalt  }
0x42: {  	_ =	shalt  }
0x43: {  	_ =	shalt  }
0x44: {  	_ =	shalt  }
0x45: {  	_ =	shalt  }
0x46: {  	_ =	shalt  }
0x47: {  	_ =	shalt  }
0x48: {  	_ =	shalt  }
0x49: {  	_ =	shalt  }
0x4a: {  	_ =	shalt  }
0x4b: {  	_ =	shalt  }
0x4c: {  	_ =	shalt  }
0x4d: {  	_ =	shalt  }
0x4e: {  	_ =	shalt  }
0x4f: {  	_ =	shalt  }
0x50: {  	_ =	shalt  }
0x51: {  	_ =	shalt  }
0x52: {  	_ =	shalt  }
0x53: {  	_ =	shalt  }
0x54: {  	_ =	shalt  }
0x55: {  	_ =	shalt  }
0x56: {  	_ =	shalt  }
0x57: {  	_ =	shalt  }
0x58: {  	_ =	shalt  }
0x59: {  	_ =	shalt  }
0x5a: {  	_ =	shalt  }
0x5b: {  	_ =	shalt  }
0x5c: {  	_ =	shalt  }
0x5d: {  	_ =	shalt  }
0x5e: {  	_ =	shalt  }
0x5f: {  	_ =	shalt  }
0x60: {  	_ =	shalt  }
0x61: {  	_ =	shalt  }
0x62: {  	_ =	shalt  }
0x63: {  	_ =	shalt  }
0x64: {  	_ =	shalt  }
0x65: {  	_ =	shalt  }
0x66: {  	_ =	shalt  }
0x67: {  	_ =	shalt  }
0x68: {  	_ =	shalt  }
0x69: {  	_ =	shalt  }
0x6a: {  	_ =	shalt  }
0x6b: {  	_ =	shalt  }
0x6c: {  	_ =	shalt  }
0x6d: {  	_ =	shalt  }
0x6e: {  	_ =	shalt  }
0x6f: {  	_ =	shalt  }
0x70: {  	_ =	shalt  }
0x71: {  	_ =	shalt  }
0x72: {  	_ =	shalt  }
0x73: {  	_ =	shalt  }
0x74: {  	_ =	shalt  }
0x75: {  	_ =	shalt  }
0x76: {  	_ =	shalt  }
0x77: {  	_ =	shalt  }
0x78: {  	_ =	shalt  }
0x79: {  	_ =	shalt  }
0x7a: {  	_ =	shalt  }
0x7b: {  	_ =	shalt  }
0x7c: {  	_ =	shalt  }
0x7d: {  	_ =	shalt  }
0x7e: {  	_ =	shalt  }
0x7f: {  	_ =	shalt  }
0x80: {  	_ =	shalt  }
0x81: {  	_ =	shalt  }
0x82: {  	_ =	shalt  }
0x83: {  	_ =	shalt  }
0x84: {  	_ =	shalt  }
0x85: {  	_ =	shalt  }
0x86: {  	_ =	shalt  }
0x87: {  	_ =	shalt  }
.Lfunc_end0:
.L_simem_size_0:
called_computation_lowered:
.L_overlay_start_0:
0x88: {  	s2 =	sld [smem:$0x3FD9]  }
0x89: {  	s3 =	sld [smem:$0x3FFE];
	_ =	sdelay $0x1  }
0x8a: {  	s1 =	srdreg.scid  }
0x8b: {  	s0 =	sand.u32 $0x1, s1  }
0x8c: {  	s17 =	sshll.u32 s0, $0xA;
	s2 =	sadd.s32 s3, s2  }
0x8d: {  	s2 =	sadd.s32 s2, s17  }
0x8e: {  	[smem:$0x3FC0] =	sst s2  }
0x8f: {  	_ = 	snop  }
0x90: {  	s2 =	sld [smem:$0x3FD0];
	(tm) =	ssettm $0x1  }
0x91: {  	s18 =	sld [smem:$0x3FFB];
	_ =	sdelay $0x3  }
0x92: {  	_ =	strace s18  }
0x93: {  	s3 =	sld [smem:$0x3FFC];
	_ =	sdelay $0x3  }
0x94: {  	_ =	strace s3  }
0x95: {  	s3 =	sld [smem:$0x3FFD];
	_ =	sdelay $0x3  }
0x96: {  	_ =	strace s3  }
0x97: {  	_ =	strace $0x8FFFFFFF  }
0x98: {  	s19 =	sld [smem:$0x3FDB];
	_ =	sdelay $0x1  }
0x99: {  	s4 =	simm.s32 $_scs_section_size  }
0x9a: {  	s5 =	simm.s32 $_size__tile_overlayer_lowered;
	s6 =	simm.s32 $_tile_overlayer_lowered  }
0x9b: {  	s22 =	simm.s32 $0x1BFF;
	s21 =	sshll.u32 s6, $0x1;
	s3 =	sadd.s32 s4, s19  }
0x9c: {  	s7 =	simm.s32 $0x0;
	s20 =	sshll.u32 s5, $0x1;
	s5 =	sadd.s32 s21, s3  }
0x9d: {  	[timem:s7], [sflag:s22] =	dma.local [hbm:s5], s20  }
0x9e: {  	_ =	swait.ge [sflag:s22], s20  }
0x9f: {  	s4 =	ssub.s32 $0x0, s20;
	[sflag:s22] =	ssyncset.done $0x0  }
0xa0: {  	[sflag:s22] =	ssyncadd.s32 s4;
	_ =	sdelay $0x1  }
0xa1: {  	s23 =	simm.s32 $0x1B8B  }
0xa2: {  	_ =	swait.ge [sflag:s23], $0x1  }
0xa3: {  	[sflag:s23] =	ssyncset.done $0x0  }
0xa4: {  	s25 =	simm.s32 $0x1B8E;
	s24 =	sld [smem:$0x3FFE];
	[sflag:s23] =	ssyncadd.s32 $0xFFFFFFFF  }
0xa5: {  	s26 =	simm.s32 $execute0_lowered;
	[smem:$0x3FD2] =	sst s25  }
0xa6: {  	s5 =	sshll.u32 s26, $0x1;
	_ =	strace $0x80000046;
	[dreg:$0x1] =	wrdreg $0xFFFFFFFF  }
0xa7: {  	s28 =	simm.s32 $_size_execute0_lowered;
	s3 =	sadd.s32 s3, s5;
	[dreg:$0x0] =	wrdreg $0x0  }
0xa8: {  	s5 =	sshll.u32 s28, $0x1;
	[dreg:$0x2] =	wrdreg s3  }
0xa9: {  	[dreg:$0x3] =	wrdreg s5  }
0xaa: {  	[dreg:$0x4] =	wrdreg $0xC0  }
0xab: {  	_ =	task [dreg:s7], $0x5FFFF  }
0xac: {  	[dreg:$0x1] =	wrdreg $0xFFFFFFFF  }
0xad: {  	[dreg:$0x0] =	wrdreg $0x60  }
0xae: {  	[dreg:$0x2] =	wrdreg s24  }
0xaf: {  	[dreg:$0x3] =	wrdreg s2  }
0xb0: {  	[dreg:$0x4] =	wrdreg $0xDD000  }
0xb1: {  	[dreg:$0x5] =	wrdreg $0x9  }
0xb2: {  	_ =	task.clear_ibuf [dreg:s7], $0x6FFFF;
	_ =	strace $0x90000046  }
0xb3: {  	s29 =	simm.s32 $0x9;
	_ =	strace $0x80000048  }
0xb4: {  	_ =	swait.ge [sflag:s29], $0x1  }
0xb5: {  	[sflag:s29] =	ssyncadd.s32 $0xFFFFFFFF  }
0xb6: {  	_ =	strace $0x90000048  }
0xb7: {  	_ =	sfence  }
0xb8: {  	s30 =	sld [smem:$0x0];
	_ =	sdelay $0x2  }
0xb9: {  	s31 =	sshll.u32 s1, $0xD;
	s1 =	sshrl.u32 s1, $0x2  }
0xba: {  	s3 =	sand.u32 $0x4000, s31;
	s1 =	sadd.s32 s1, s30  }
0xbb: {  	s0 =	sor.u32 s3, s0;
	s1 =	sshll.u32 s1, $0x11  }
0xbc: {  	s0 =	sor.u32 s1, s0  }
0xbd: {  	s0 =	sadd.s32 $0x8F2B, s0  }
0xbe: {  	[sflag:s0] =	ssyncadd.remote.s32 $0x1  }
0xbf: {  	_ =	sfence.sel $0xFFFF  }
0xc0: {  	[dreg:$0x0] =	wrdreg $0xFFFFFFFF;
	(pc) =	sbr.abs _section_cstart, $3  }
0xc1: {  	[dreg:$0x1] =	wrdreg $0xFFFFFFFF  }
0xc2: {  	_ =	task.clear_ibuf [dreg:s7], $0x2FFFF;
	_ =	strace $0x9FFFFFFF  }
0xc3: {  	(tm) =	ssettm $0x7FFFFFFF  }
tec
execute0_lowered:
.L_overlay_start_1:
0x0: {  	(tag) =	ssettag $0x1  }
0x1: {  	s9 =	rddreg [dreg:$0x0]  }
0x2: {  	s7 =	rddreg [dreg:$0x1];
	s1 =	srdreg.scid  }
0x3: {  	s0 =	stileid.u32;
	s2 =	rddreg [dreg:$0x2]  }
0x4: {  	s3 =	simm.s32 $0x0;
	s15 =	simm.s32 $0x1600;
	s16 =	simm.s32 $0x80  }
0x5: {  	s17 =	simm.s32 $0x9D00;
	s18 =	simm.s32 $0xBD00;
	s19 =	simm.s32 $0x1  }
0x6: {  	s20 =	simm.s32 $0x2;
	s6 =	sand.u32 $0x1, s1;
	s1 =	rddreg [dreg:$0x3]  }
0x7: {  	s21 =	simm.s32 $0x0;
	s5 =	smul.u32 $0xA000, s0;
	[smem:$0x7FF] =	sst s3  }
0x8: {  	s28 =	sshll.u32 s0, $0x6;
	s29 =	smul.u32 $0x9C0, s0;
	s14 =	sshll.u32 s0, $0x4  }
0x9: {  	s4 =	smul.u32 $0xA0000, s6;
	_ =	strace $0x80000047;
	s10 =	ssub.s32 $0x2, s6  }
0xa: {  	p0 =	seq.s32 s6, $0x0;
	s6 =	sor.u32 $0x1C03, s28;
	s30 =	sadd.s32 s14, s7  }
0xb: {  	s11 =	sshrl.u32 s10, $0x1;
	s13 =	sadd.s32 s5, s2;
	s15 =	simm.s32 @!p0 $0xB400  }
0xc: {  	s7 =	sadd.s32 s7, s29;
	p0 =	sgt.u32 s0, $0x3;
	s8 =	sadd.s32 s5, s4  }
0xd: {  	s4 =	sadd.s32 $0x65200, s9;
	s10 =	ssub.s32 s10, s11;
	s15 =	sadd.s32 s15, s9  }
0xe: {  	s13 =	sshrl.u32 s13, $0x3;
	s8 =	sshrl.u32 s8, $0x3;
	s10 =	smax.u32 s10, $0x1  }
0xf: {  	s31 =	sadd.s32 s14, s15;
	s11 =	sadd.s32 s15, s29;
	s14 =	simm.s32 $0x3  }
0x10: {  	s15 =	simm.s32 $0x4E80;
	s12 =	sadd.s32 s8, s9;
	s8 =	sadd.s32 $0x9C00, s30  }
0x11: {  	s5 =	sadd.s32 $0x15200, s12;
	s9 =	sadd.s32 $0x3D200, s12;
	s12 =	sadd.s32 $0x9C00, s31  }
.LBB2_1:
0x12: {  	[spmem:s13], [sflag:s6] =	dma.local [hbm:s5], $0x1400  }
0x13: {  	_ =	swait.ge [sflag:s14], $0x1400  }
0x14: {  	[sflag:s14] =	ssyncset.done $0x0  }
0x15: {  	[sflag:s14] =	ssyncadd.s32 $0xFFFFEC00  }
0x16: {  	[tilespmem:s3], [sflag:$0x3] =	stream.linear.gather [hbm4b:s11+s3], $0x4E00, $0x38;
	[tilespmem:$0x17D00] =	vst v63  }
0x17: {  	_ =	swait.ge [sflag:s14], $0x4E00  }
0x18: {  	[sflag:s14] =	ssyncset.done $0x0  }
0x19: {  	[sflag:s14] =	ssyncadd.s32 $0xFFFFB200  }
0x1a: {  	[tilespmem:s15], [sflag:$0x3] =	stream.linear.gather [hbm4b:s7+s3], $0x4E00, $0x38;
	[tilespmem:$0x17D00] =	vst v63  }
0x1b: {  	_ =	swait.ge [sflag:s14], $0x4E00  }
0x1c: {  	[sflag:s14] =	ssyncset.done $0x0  }
0x1d: {  	s22 =	simm.s32 @!p0 $0x0;
	s23 =	simm.s32 @!p0 $0x4E00;
	[sflag:s14] =	ssyncadd.s32 $0xFFFFB200  }
0x1e: {  	[tilespmem:s23], [sflag:$0x3] =	stream.linear.gather @!p0 [hbm4b:s12+s22], $0x80, $0x38;
	[tilespmem:$0x17D00] =	vst v63  }
0x1f: {  	s23 =	simm.s32 @!p0 $0x3  }
0x20: {  	_ =	swait.ge @!p0 [sflag:s23], $0x80  }
0x21: {  	[sflag:s23] =	ssyncset.done @!p0 $0x0  }
0x22: {  	s24 =	simm.s32 @!p0 $0x9C80;
	[sflag:s23] =	ssyncadd.s32 @!p0 $0xFFFFFF80  }
0x23: {  	[tilespmem:s24], [sflag:$0x3] =	stream.linear.gather @!p0 [hbm4b:s8+s22], $0x80, $0x38;
	[tilespmem:$0x17D00] =	vst v63  }
0x24: {  	_ =	swait.ge @!p0 [sflag:s23], $0x80  }
0x25: {  	[sflag:s23] =	ssyncset.done @!p0 $0x0  }
0x26: {  	[sflag:s23] =	ssyncadd.s32 @!p0 $0xFFFFFF80  }
0x27: {  	s28 =	simm.s32 $0x0;
	[bflag:$0x0] =	sbarrier.arrive $0xFFFF  }
0x28: {  	[tilespmem:s17], [sflag:$0x1] =	stream.indirect.gather [hbm4b:s4+s16], $0x40, s28, s16, $0xb8;
	[tilespmem:$0x17D00] =	vst v63  }
0x29: {  	s29 =	simm.s32 $0x80  }
0x2a: {  	[tilespmem:s18], [sflag:$0x2] =	stream.indirect.gather [hbm4b:s4+s16], $0x40, s29, s16, $0xb8;
	[tilespmem:$0x17D00] =	vst v63  }
0x2b: {  	_ =	swait.ge [sflag:s19], $0x2000  }
0x2c: {  	[sflag:s19] =	ssyncset.done $0x0  }
0x2d: {  	s30 =	simm.s32 $0x4E80;
	[sflag:s19] =	ssyncadd.s32 $0xFFFFE000  }
0x2e: {  	[spmem:s2] =	stream.indirect.scatter.add.f32 [tilespmem:s17], [sflag:$0x3], $0x40, s30, s16, $0xb8;
	[tilespmem:$0x17D00] =	vst v63  }
0x2f: {  	_ =	swait.ge [sflag:s14], $0x2000  }
0x30: {  	[sflag:s14] =	ssyncset.done $0x0  }
0x31: {  	[sflag:s14] =	ssyncadd.s32 $0xFFFFE000  }
0x32: {  	_ =	swait.ge [sflag:s20], $0x2000  }
0x33: {  	[sflag:s20] =	ssyncset.done $0x0  }
0x34: {  	s31 =	simm.s32 $0x4F00;
	[sflag:s20] =	ssyncadd.s32 $0xFFFFE000  }
0x35: {  	[spmem:s2] =	stream.indirect.scatter.add.f32 [tilespmem:s18], [sflag:$0x3], $0x40, s31, s16, $0xb8;
	[tilespmem:$0x17D00] =	vst v63  }
0x36: {  	_ =	swait.ge [sflag:s14], $0x2000  }
0x37: {  	s22 =	simm.s32 $0x400;
	s23 =	simm.s32 $0x800;
	[sflag:s14] =	ssyncset.done $0x0  }
.LBB2_2:
0x38: {  	s24 =	sshra.s32 s22, $0x2  }
0x39: {  	[sflag:s14] =	ssyncadd.s32 $0xFFFFE000;
	s22 =	smov.u32 s23;
	s25 =	sadd.s32 $0x400, s23  }
0x3a: {  	[tilespmem:s17], [sflag:$0x1] =	stream.indirect.gather [hbm4b:s4+s16], $0x40, s24, s16, $0xb8;
	[tilespmem:$0x17D00] =	vst v63  }
0x3b: {  	p1 =	sne.s32 s23, $0x13400;
	s23 =	sadd.s32 $0x80, s24  }
0x3c: {  	[tilespmem:s18], [sflag:$0x2] =	stream.indirect.gather [hbm4b:s4+s16], $0x40, s23, s16, $0xb8;
	[tilespmem:$0x17D00] =	vst v63  }
0x3d: {  	_ =	swait.ge [sflag:s19], $0x2000  }
0x3e: {  	[sflag:s19] =	ssyncset.done $0x0  }
0x3f: {  	s23 =	sadd.s32 $0x4E80, s24;
	[sflag:s19] =	ssyncadd.s32 $0xFFFFE000  }
0x40: {  	[spmem:s2] =	stream.indirect.scatter.add.f32 [tilespmem:s17], [sflag:$0x3], $0x40, s23, s16, $0xb8;
	[tilespmem:$0x17D00] =	vst v63  }
0x41: {  	_ =	swait.ge [sflag:s14], $0x2000  }
0x42: {  	[sflag:s14] =	ssyncset.done $0x0  }
0x43: {  	[sflag:s14] =	ssyncadd.s32 $0xFFFFE000  }
0x44: {  	_ =	swait.ge [sflag:s20], $0x2000  }
.Ltmp0:
0x45: {  	[sflag:s20] =	ssyncset.done $0x0;
	(pc) =	sbr.rel @p1 .LBB2_2-.Ltmp0, $4  }
0x46: {  	s23 =	sadd.s32 $0x4F00, s24;
	[sflag:s20] =	ssyncadd.s32 $0xFFFFE000  }
0x47: {  	[spmem:s2] =	stream.indirect.scatter.add.f32 [tilespmem:s18], [sflag:$0x3], $0x40, s23, s16, $0xb8;
	[tilespmem:$0x17D00] =	vst v63  }
0x48: {  	_ =	swait.ge [sflag:s14], $0x2000  }
0x49: {  	s23 =	smov.u32 s25;
	[sflag:s14] =	ssyncset.done $0x0  }
0x4a: {  	s22 =	sshra.s32 s22, $0x2;
	[sflag:s14] =	ssyncadd.s32 $0xFFFFE000  }
0x4b: {  	[tilespmem:s17], [sflag:$0x1] =	stream.indirect.gather [hbm4b:s4+s16], $0x40, s22, s16, $0xb8;
	[tilespmem:$0x17D00] =	vst v63  }
0x4c: {  	s23 =	sadd.s32 $0x80, s22  }
0x4d: {  	[tilespmem:s18], [sflag:$0x2] =	stream.indirect.gather [hbm4b:s4+s16], $0x40, s23, s16, $0xb8;
	[tilespmem:$0x17D00] =	vst v63  }
0x4e: {  	_ =	swait.ge [sflag:s19], $0x2000  }
0x4f: {  	[sflag:s19] =	ssyncset.done $0x0  }
0x50: {  	s31 =	sadd.s32 $0x4E80, s22;
	[sflag:s19] =	ssyncadd.s32 $0xFFFFE000  }
0x51: {  	[spmem:s2] =	stream.indirect.scatter.add.f32 [tilespmem:s17], [sflag:$0x3], $0x40, s31, s16, $0xb8;
	[tilespmem:$0x17D00] =	vst v63  }
0x52: {  	_ =	swait.ge [sflag:s14], $0x2000  }
0x53: {  	[sflag:s14] =	ssyncset.done $0x0  }
0x54: {  	[sflag:s14] =	ssyncadd.s32 $0xFFFFE000  }
0x55: {  	_ =	swait.ge [sflag:s20], $0x2000  }
0x56: {  	[sflag:s20] =	ssyncset.done $0x0  }
0x57: {  	s22 =	sadd.s32 $0x4F00, s22;
	[sflag:s20] =	ssyncadd.s32 $0xFFFFE000  }
0x58: {  	[spmem:s2] =	stream.indirect.scatter.add.f32 [tilespmem:s18], [sflag:$0x3], $0x40, s22, s16, $0xb8;
	[tilespmem:$0x17D00] =	vst v63  }
0x59: {  	_ =	swait.ge [sflag:s14], $0x2000  }
0x5a: {  	s24 =	simm.s32 @!p0 $0x9D00;
	[sflag:s14] =	ssyncset.done $0x0  }
0x5b: {  	s23 =	simm.s32 @!p0 $0x4E00;
	s22 =	simm.s32 @!p0 $0x80;
	[sflag:s14] =	ssyncadd.s32 $0xFFFFE000  }
0x5c: {  	[tilespmem:s24], [sflag:$0x1] =	stream.indirect.gather @!p0 [hbm4b:s4+s22], $0x40, s23, s22, $0xb8;
	[tilespmem:$0x17D00] =	vst v63  }
0x5d: {  	s23 =	simm.s32 @!p0 $0x1  }
0x5e: {  	_ =	swait.ge @!p0 [sflag:s23], $0x2000  }
0x5f: {  	[sflag:s23] =	ssyncset.done @!p0 $0x0  }
0x60: {  	[sflag:s23] =	ssyncadd.s32 @!p0 $0xFFFFE000;
	s23 =	simm.s32 @!p0 $0x9C80  }
0x61: {  	[spmem:s2] =	stream.indirect.scatter.add.f32 @!p0 [tilespmem:s24], [sflag:$0x3], $0x40, s23, s22, $0xb8;
	[tilespmem:$0x17D00] =	vst v63  }
0x62: {  	s22 =	simm.s32 @!p0 $0x3  }
0x63: {  	_ =	swait.ge @!p0 [sflag:s22], $0x2000  }
0x64: {  	s21 =	sadd.s32 $0x1, s21;
	[sflag:s22] =	ssyncset.done @!p0 $0x0  }
0x65: {  	p1 =	sne.s32 s21, s10;
	[sflag:s22] =	ssyncadd.s32 @!p0 $0xFFFFE000  }
.Ltmp1:
0x66: {  	[bflag:$0x0] =	sbarrier.arrive $0xFFFF;
	(pc) =	sbr.rel @p1 .LBB2_1-.Ltmp1, $4  }
0x67: {  	[hbm:s9], [sflag:s6] =	dma.local [spmem:s13], $0x1400  }
0x68: {  	_ =	swait.ge [sflag:s14], $0x1400  }
0x69: {  	[sflag:s14] =	ssyncset.done $0x0  }
0x6a: {  	[sflag:s14] =	ssyncadd.s32 $0xFFFFEC00  }
0x6b: {  	_ =	sfence.sel $0x180000  }
0x6c: {  	[bflag:$0x0] =	sbarrier.arrive $0xFFFF  }
0x6d: {  	p0 =	sne.s32 s0, $0x0;
	_ =	strace $0x90000047  }
0x6e: {  	s0 =	sadd.s32 @!p0 $0x100000, s1;
	[bflag:$0x2] =	sbarrier.arrive $0xFFFF  }
0x6f: {  	[sflag:s0] =	ssyncadd.tile.s32 @!p0 $0x1;
	_ =	shalt  }
.Lfunc_end2:
_tile_overlayer_lowered:
.L_overlay_start_2:
0x70: {  	(tag) =	ssettag $0x2  }
0x71: {  	s0 =	rddreg [dreg:$0x0];
	s2 =	stileid.u32  }
0x72: {  	s1 =	rddreg [dreg:$0x1];
	p0 =	sne.s32 s2, $0x0  }
0x73: {  	s3 =	rddreg [dreg:$0x2];
	[bflag:$0x3] =	sbarrier.arrive $0xFFFF;
	s2 =	simm.s32 @!p0 $0x1C03  }
0x74: {  	[timem:s3], [sflag:s2] =	dma.local @!p0 [hbm:s0], s1  }
0x75: {  	s0 =	simm.s32 @!p0 $0x3  }
0x76: {  	_ =	swait.ge @!p0 [sflag:s0], s1  }
0x77: {  	s1 =	ssub.s32 @!p0 $0x0, s1;
	[sflag:s0] =	ssyncset.done @!p0 $0x0  }
0x78: {  	[sflag:s0] =	ssyncadd.s32 @!p0 s1  }
0x79: {  	[bflag:$0x3] =	sbarrier.arrive $0xFFFF  }
0x7a: {  	_ =	shalt  }

</sc_bundles>
